<compile_context>
chip_gen: v7x
topology: tpu7x:2x2x1
jax: 0.10.2.dev20260603
libtpu: 0.0.44.dev20260713+nightly
codegen_flags: <defaults>
</compile_context>

<pallas_src>
import functools

import jax
import jax.numpy as jnp
from jax import lax
from jax.experimental import pallas as pl
from jax.experimental.pallas import tpu as pltpu
from jax.experimental.pallas import tpu_sc as plsc

N = 256
B = 4
C = 128
TBL = 64
NC, NS = 2, 16
NW = NC * NS
ROWS = N * N * B
RPW = ROWS // NW
CHUNK = 128
NCH = RPW // CHUNK
XPW = N // NW


def _rel(i0_ref, i1_ref, i0f_ref, i1f_ref, co_ref):
    q = lax.broadcasted_iota(jnp.int32, (N, N * B), 1)
    bat = q & (B - 1)

    def xterm(ref):
        a = jnp.broadcast_to(ref[:, 0:1], (N, N * B))
        for k in range(1, B):
            a = jnp.where(bat == k, ref[:, k:k + 1], a)
        return a

    r0 = xterm(i0_ref) - i0f_ref[...] + co_ref[0]
    r1 = xterm(i1_ref) - i1f_ref[...] + co_ref[1]
    return r0, r1


def _prep_kernel(i0_ref, i1_ref, i0f_ref, i1f_ref, p0_ref, p1_ref, co_ref,
                 table_ref, idx_ref):
    zrow = jnp.zeros((1, C), jnp.float32)
    p0p = jnp.concatenate([p0_ref[...], zrow], axis=0)
    p1p = jnp.concatenate([p1_ref[...], zrow], axis=0)
    table_ref[...] = (p0p[:, None, :] + p1p[None, :, :]).reshape(TBL * TBL, C)
    r0, r1 = _rel(i0_ref, i1_ref, i0f_ref, i1f_ref, co_ref)
    idx_ref[...] = jnp.maximum(r0, 0) * TBL + jnp.maximum(r1, 0)


def _cm_kernel(i0_ref, i1_ref, i0f_ref, i1f_ref, co_ref, cm_ref):
    r0, r1 = _rel(i0_ref, i1_ref, i0f_ref, i1f_ref, co_ref)
    cm_ref[...] = (r0 < 0) | (r1 < 0)


def _prep(i0, i1, i0f, i1f, p0, p1, center_offset):
    return pl.pallas_call(
        _prep_kernel,
        in_specs=[pl.BlockSpec(memory_space=pltpu.VMEM)] * 6 +
                 [pl.BlockSpec(memory_space=pltpu.SMEM)],
        out_specs=[
            pl.BlockSpec(memory_space=pltpu.VMEM),
            pl.BlockSpec(memory_space=pltpu.VMEM),
        ],
        out_shape=[
            jax.ShapeDtypeStruct((TBL * TBL, C), jnp.float32),
            jax.ShapeDtypeStruct((N, N * B), jnp.int32),
        ],
    )(i0, i1, i0f, i1f, p0, p1, center_offset)


def _cm(i0, i1, i0f, i1f, center_offset):
    return pl.pallas_call(
        _cm_kernel,
        in_specs=[pl.BlockSpec(memory_space=pltpu.VMEM)] * 4 +
                 [pl.BlockSpec(memory_space=pltpu.SMEM)],
        out_specs=pl.BlockSpec(memory_space=pltpu.VMEM),
        out_shape=jax.ShapeDtypeStruct((N, N * B), jnp.bool_),
    )(i0, i1, i0f, i1f, center_offset)


NBUF = 4


def _gather_body(table_hbm, idx_hbm, out_hbm, idx_v, rows_v, tbl_sh, gsem, psem):
    sid = lax.axis_index("s")
    wid = sid * NC + lax.axis_index("c")
    @pl.when(sid == 0)
    def _():
        pltpu.sync_copy(table_hbm, tbl_sh)
    pltpu.sync_copy(idx_hbm.at[pl.ds(wid * XPW, XPW)], idx_v)
    plsc.subcore_barrier()
    base = wid * RPW
    CPX = N * B // CHUNK

    def gather(j, buf):
        return pltpu.make_async_copy(
            tbl_sh.at[idx_v.at[j // CPX, pl.ds((j % CPX) * CHUNK, CHUNK)]],
            rows_v.at[buf], gsem.at[buf])

    def put(j, buf):
        return pltpu.make_async_copy(
            rows_v.at[buf], out_hbm.at[pl.ds(base + j * CHUNK, CHUNK)],
            psem.at[buf])

    for k in range(NBUF - 1):
        gather(k, k).start()

    def body(g, _):
        for k in range(NBUF):
            j = g * NBUF + k
            gather(j, k).wait()
            put(j, k).start()
            nj = j + NBUF - 1
            nbuf = (k + NBUF - 1) % NBUF

            @pl.when(nj < NCH)
            def _():
                @pl.when(j >= 1)
                def _():
                    put(j - 1, nbuf).wait()

                gather(nj, nbuf).start()

        return 0

    lax.fori_loop(0, NCH // NBUF, body, 0)
    put(NCH - 1, (NCH - 1) % NBUF).wait()


@functools.partial(
    pl.kernel,
    mesh=plsc.VectorSubcoreMesh(core_axis_name="c", subcore_axis_name="s"),
    out_type=jax.ShapeDtypeStruct((ROWS, C), jnp.float32),
    scratch_types=[
        pltpu.VMEM((XPW, N * B), jnp.int32),
        pltpu.VMEM((NBUF, CHUNK, C), jnp.float32),
        pltpu.VMEM_SHARED((TBL * TBL, C), jnp.float32),
        pltpu.SemaphoreType.DMA((NBUF,)),
        pltpu.SemaphoreType.DMA((NBUF,)),
    ],
)
def _sc_gather(table_hbm, idx_hbm, out_hbm, idx_v, rows_v, tbl_sh, gsem, psem):
    _gather_body(table_hbm, idx_hbm, out_hbm, idx_v, rows_v, tbl_sh, gsem, psem)


def kernel(i, p0, p1, center_offset):
    i = i.astype(jnp.int32)
    center_offset = center_offset.astype(jnp.int32)
    i0 = i[:, :, 0]
    i1 = i[:, :, 1]
    i0f = i0.reshape(1, N * B)
    i1f = i1.reshape(1, N * B)
    table, idx = _prep(i0, i1, i0f, i1f, p0, p1, center_offset)
    cm = _cm(i0, i1, i0f, i1f, center_offset)
    pe = _sc_gather(table, idx)
    pe = pe.reshape(N, N, B, C)
    cm = cm.reshape(N, N, B)
    return pe, cm

# --- scband reference (transcript-rebuilt; emitter-appended) ---
"""Pipeline reference for scband-ndlearned-relative-positional-encoding-85426899517513 (READ-ONLY COPY).

The authoritative reference and input builder live on the scoring server;
editing this copy changes nothing except your own understanding.
"""

import jax, jax.numpy as jnp
import numpy as np


def setup_inputs(seed: int = 0) -> dict:
    key = jax.random.key(seed)
    k1, k2, k3, k4 = jax.random.split(key, 4)
    n, b = 256, 4
    grid = (32, 32)
    channels = 128
    causal_dims = ()
    enc_shape = tuple((d if j in causal_dims else 2 * d - 1) for j, d in enumerate(grid))
    i0 = jax.random.randint(k1, (n, b), 0, grid[0])
    i1 = jax.random.randint(k2, (n, b), 0, grid[1])
    i = jnp.stack([i0, i1], axis=-1)  # [n, b, 2] int
    # learned relative encodings (initialized like trainable params; zeros in the
    # original init, small random here so outputs/grads are nontrivial)
    p0 = jax.random.normal(k3, (enc_shape[0], channels), dtype=jnp.float32) * 0.02
    p1 = jax.random.normal(k4, (enc_shape[1], channels), dtype=jnp.float32) * 0.02
    center_offset = jnp.array([0 if j in causal_dims else d - 1 for j, d in enumerate(grid)], dtype=i.dtype)
    return {"i": i, "p0": p0, "p1": p1, "center_offset": center_offset}


def reference(i, p0, p1, center_offset):
    # i: [n, b, d] integer positions; d == 2
    n, b, d = i.shape
    r = i[:, None, :, :] - i[None, :, :, :]          # [n, n, b, d]
    r = r + center_offset[None, None, None, :]
    cm = jnp.any(r < 0, axis=-1)                      # [n, n, b] bool (torch.max over bool)
    r = jnp.clip(r, 0, None)
    pe = jnp.take(p0, r[:, :, :, 0], axis=0) + jnp.take(p1, r[:, :, :, 1], axis=0)  # [n, n, b, channels]
    return pe, cm

if __name__ == "__main__":
    import jax
    _d = setup_inputs()
    print(jax.jit(kernel)(*tuple(_d.values())))

</pallas_src>

<mosaic_0001>
#map = affine_map<(d0, d1) -> (0, 0)>
module attributes {stable_mosaic.version = 14 : i64} {
  func.func @_sc_gather(%arg0: i32, %arg1: i32, %arg2: memref<4096x128xf32, #tpu.memory_space<hbm>>, %arg3: memref<256x1024xi32, #tpu.memory_space<hbm>>, %arg4: memref<262144x128xf32, #tpu.memory_space<hbm>>, %arg5: memref<8x1024xi32, #tpu.memory_space<vmem>>, %arg6: memref<4x128x128xf32, #tpu.memory_space<vmem>>, %arg7: memref<4096x128xf32, #tpu.memory_space<vmem_shared>>, %arg8: memref<4x!tpu.dma_semaphore, #tpu.memory_space<semaphore_mem>>, %arg9: memref<4x!tpu.dma_semaphore, #tpu.memory_space<semaphore_mem>>) attributes {dimension_semantics = [#tpu.dimension_semantics<core_parallel>, #tpu.dimension_semantics<subcore_parallel>], iteration_bounds = array<i64: 2, 16>, scalar_prefetch = 0 : i64, scratch_operands = 5 : i64, tpu.core_type = #tpu.core_type<sc_vector_subcore>, window_params = [{transform_indices = #map}, {transform_indices = #map}, {transform_indices = #map}]} {
    %mul3A = arith.constant 2 : i32
    %mul3A_0 = arith.muli %arg1, %mul3A : i32
    %add3A = arith.addi %mul3A_0, %arg0 : i32
    %eq3A = arith.constant 0 : i32
    %eq3A_1 = arith.cmpi eq, %arg1, %eq3A : i32
    %convert_element_type3A = arith.extui %eq3A_1 : i1 to i32
    %cond3A = arith.constant 0 : i32
    %cond3A_2 = arith.cmpi ne, %convert_element_type3A, %cond3A : i32
    scf.if %cond3A_2 {
      "tpu.region"() ({
        %run_scoped3A = tpu.sem_alloc : memref<!tpu.dma_semaphore, #tpu.memory_space<semaphore_mem>>
        tpu.enqueue_dma source(%arg2 : memref<4096x128xf32, #tpu.memory_space<hbm>>) target(%arg7 : memref<4096x128xf32, #tpu.memory_space<vmem_shared>>) target_semaphore(%run_scoped3A : memref<!tpu.dma_semaphore, #tpu.memory_space<semaphore_mem>>)
        tpu.wait_dma2 semaphore(%run_scoped3A : memref<!tpu.dma_semaphore, #tpu.memory_space<semaphore_mem>>) src(%arg2 : memref<4096x128xf32, #tpu.memory_space<hbm>>) dst(%arg7 : memref<4096x128xf32, #tpu.memory_space<vmem_shared>>)
        tpu.yield
      }) : () -> ()
    } else {
    }
    %mul3A_3 = arith.constant 8 : i32
    %mul3A_4 = arith.muli %add3A, %mul3A_3 : i32
    "tpu.region"() ({
      %run_scoped3A = tpu.sem_alloc : memref<!tpu.dma_semaphore, #tpu.memory_space<semaphore_mem>>
      %dma_start3A_74 = arith.constant 0 : i32
      %dma_start3A_75 = tpu.memref_slice %arg3[%mul3A_4, %dma_start3A_74] : memref<256x1024xi32, #tpu.memory_space<hbm>> -> memref<8x1024xi32, #tpu.memory_space<hbm>>
      %dma_start3A_76 = arith.constant 0 : i32
      %dma_start3A_77 = tpu.memref_slice %arg3[%mul3A_4, %dma_start3A_76] : memref<256x1024xi32, #tpu.memory_space<hbm>> -> memref<8x1024xi32, #tpu.memory_space<hbm>>
      tpu.enqueue_dma source(%dma_start3A_77 : memref<8x1024xi32, #tpu.memory_space<hbm>>) target(%arg5 : memref<8x1024xi32, #tpu.memory_space<vmem>>) target_semaphore(%run_scoped3A : memref<!tpu.dma_semaphore, #tpu.memory_space<semaphore_mem>>)
      %dma_wait3A_78 = arith.constant 0 : i32
      %dma_wait3A_79 = tpu.memref_slice %arg3[%mul3A_4, %dma_wait3A_78] : memref<256x1024xi32, #tpu.memory_space<hbm>> -> memref<8x1024xi32, #tpu.memory_space<hbm>>
      %dma_wait3A_80 = arith.constant 0 : i32
      %dma_wait3A_81 = tpu.memref_slice %arg3[%mul3A_4, %dma_wait3A_80] : memref<256x1024xi32, #tpu.memory_space<hbm>> -> memref<8x1024xi32, #tpu.memory_space<hbm>>
      tpu.wait_dma2 semaphore(%run_scoped3A : memref<!tpu.dma_semaphore, #tpu.memory_space<semaphore_mem>>) src(%dma_wait3A_81 : memref<8x1024xi32, #tpu.memory_space<hbm>>) dst(%arg5 : memref<8x1024xi32, #tpu.memory_space<vmem>>)
      tpu.yield
    }) : () -> ()
    %barrier3A = arith.constant 0 : index
    tpu.barrier barrier_id(%barrier3A)
    %mul3A_5 = arith.constant 8192 : i32
    %mul3A_6 = arith.muli %add3A, %mul3A_5 : i32
    %dma_start3A = arith.constant 0 : i32
    %dma_start3A_7 = arith.constant 0 : i32
    %dma_start3A_8 = arith.constant 0 : i32
    %dma_start3A_9 = arith.constant 0 : i32
    %dma_start3A_10 = arith.constant 0 : i32
    %dma_start3A_11 = tpu.memref_slice %arg6[%dma_start3A_7, %dma_start3A_9, %dma_start3A_10] : memref<4x128x128xf32, #tpu.memory_space<vmem>> -> memref<1x128x128xf32, #tpu.memory_space<vmem>>
    %dma_start3A_12 = tpu.memref_squeeze %dma_start3A_11 : memref<1x128x128xf32, #tpu.memory_space<vmem>> -> memref<128x128xf32, #tpu.memory_space<vmem>>
    %dma_start3A_13 = arith.constant 0 : i32
    %dma_start3A_14 = tpu.memref_slice %arg5[%dma_start3A, %dma_start3A_13] : memref<8x1024xi32, #tpu.memory_space<vmem>> -> memref<1x128xi32, #tpu.memory_space<vmem>>
    %dma_start3A_15 = tpu.memref_squeeze %dma_start3A_14 : memref<1x128xi32, #tpu.memory_space<vmem>> -> memref<128xi32, #tpu.memory_space<vmem>>
    %dma_start3A_16 = arith.constant 0 : i32
    %dma_start3A_17 = arith.constant 0 : i32
    %dma_start3A_18 = tpu.memref_slice %arg7[%dma_start3A_16, %dma_start3A_17] : memref<4096x128xf32, #tpu.memory_space<vmem_shared>> -> memref<4096x128xf32, #tpu.memory_space<vmem_shared>>
    %dma_start3A_19 = tpu.memref_slice %arg8[%dma_start3A_8] : memref<4x!tpu.dma_semaphore, #tpu.memory_space<semaphore_mem>> -> memref<1x!tpu.dma_semaphore, #tpu.memory_space<semaphore_mem>>
    %dma_start3A_20 = tpu.memref_squeeze %dma_start3A_19 : memref<1x!tpu.dma_semaphore, #tpu.memory_space<semaphore_mem>> -> memref<!tpu.dma_semaphore, #tpu.memory_space<semaphore_mem>>
    tpu.enqueue_indirect_dma source(%dma_start3A_18 : memref<4096x128xf32, #tpu.memory_space<vmem_shared>>) target(%dma_start3A_12 : memref<128x128xf32, #tpu.memory_space<vmem>>) offsets(%dma_start3A_15 : memref<128xi32, #tpu.memory_space<vmem>>) semaphore(%dma_start3A_20 : memref<!tpu.dma_semaphore, #tpu.memory_space<semaphore_mem>>)
    %dma_start3A_21 = arith.constant 0 : i32
    %dma_start3A_22 = arith.constant 1 : i32
    %dma_start3A_23 = arith.constant 1 : i32
    %dma_start3A_24 = arith.constant 0 : i32
    %dma_start3A_25 = arith.constant 0 : i32
    %dma_start3A_26 = tpu.memref_slice %arg6[%dma_start3A_22, %dma_start3A_24, %dma_start3A_25] : memref<4x128x128xf32, #tpu.memory_space<vmem>> -> memref<1x128x128xf32, #tpu.memory_space<vmem>>
    %dma_start3A_27 = tpu.memref_squeeze %dma_start3A_26 : memref<1x128x128xf32, #tpu.memory_space<vmem>> -> memref<128x128xf32, #tpu.memory_space<vmem>>
    %dma_start3A_28 = arith.constant 128 : i32
    %dma_start3A_29 = tpu.memref_slice %arg5[%dma_start3A_21, %dma_start3A_28] : memref<8x1024xi32, #tpu.memory_space<vmem>> -> memref<1x128xi32, #tpu.memory_space<vmem>>
    %dma_start3A_30 = tpu.memref_squeeze %dma_start3A_29 : memref<1x128xi32, #tpu.memory_space<vmem>> -> memref<128xi32, #tpu.memory_space<vmem>>
    %dma_start3A_31 = arith.constant 0 : i32
    %dma_start3A_32 = arith.constant 0 : i32
    %dma_start3A_33 = tpu.memref_slice %arg7[%dma_start3A_31, %dma_start3A_32] : memref<4096x128xf32, #tpu.memory_space<vmem_shared>> -> memref<4096x128xf32, #tpu.memory_space<vmem_shared>>
    %dma_start3A_34 = tpu.memref_slice %arg8[%dma_start3A_23] : memref<4x!tpu.dma_semaphore, #tpu.memory_space<semaphore_mem>> -> memref<1x!tpu.dma_semaphore, #tpu.memory_space<semaphore_mem>>
    %dma_start3A_35 = tpu.memref_squeeze %dma_start3A_34 : memref<1x!tpu.dma_semaphore, #tpu.memory_space<semaphore_mem>> -> memref<!tpu.dma_semaphore, #tpu.memory_space<semaphore_mem>>
    tpu.enqueue_indirect_dma source(%dma_start3A_33 : memref<4096x128xf32, #tpu.memory_space<vmem_shared>>) target(%dma_start3A_27 : memref<128x128xf32, #tpu.memory_space<vmem>>) offsets(%dma_start3A_30 : memref<128xi32, #tpu.memory_space<vmem>>) semaphore(%dma_start3A_35 : memref<!tpu.dma_semaphore, #tpu.memory_space<semaphore_mem>>)
    %dma_start3A_36 = arith.constant 0 : i32
    %dma_start3A_37 = arith.constant 2 : i32
    %dma_start3A_38 = arith.constant 2 : i32
    %dma_start3A_39 = arith.constant 0 : i32
    %dma_start3A_40 = arith.constant 0 : i32
    %dma_start3A_41 = tpu.memref_slice %arg6[%dma_start3A_37, %dma_start3A_39, %dma_start3A_40] : memref<4x128x128xf32, #tpu.memory_space<vmem>> -> memref<1x128x128xf32, #tpu.memory_space<vmem>>
    %dma_start3A_42 = tpu.memref_squeeze %dma_start3A_41 : memref<1x128x128xf32, #tpu.memory_space<vmem>> -> memref<128x128xf32, #tpu.memory_space<vmem>>
    %dma_start3A_43 = arith.constant 256 : i32
    %dma_start3A_44 = tpu.memref_slice %arg5[%dma_start3A_36, %dma_start3A_43] : memref<8x1024xi32, #tpu.memory_space<vmem>> -> memref<1x128xi32, #tpu.memory_space<vmem>>
    %dma_start3A_45 = tpu.memref_squeeze %dma_start3A_44 : memref<1x128xi32, #tpu.memory_space<vmem>> -> memref<128xi32, #tpu.memory_space<vmem>>
    %dma_start3A_46 = arith.constant 0 : i32
    %dma_start3A_47 = arith.constant 0 : i32
    %dma_start3A_48 = tpu.memref_slice %arg7[%dma_start3A_46, %dma_start3A_47] : memref<4096x128xf32, #tpu.memory_space<vmem_shared>> -> memref<4096x128xf32, #tpu.memory_space<vmem_shared>>
    %dma_start3A_49 = tpu.memref_slice %arg8[%dma_start3A_38] : memref<4x!tpu.dma_semaphore, #tpu.memory_space<semaphore_mem>> -> memref<1x!tpu.dma_semaphore, #tpu.memory_space<semaphore_mem>>
    %dma_start3A_50 = tpu.memref_squeeze %dma_start3A_49 : memref<1x!tpu.dma_semaphore, #tpu.memory_space<semaphore_mem>> -> memref<!tpu.dma_semaphore, #tpu.memory_space<semaphore_mem>>
    tpu.enqueue_indirect_dma source(%dma_start3A_48 : memref<4096x128xf32, #tpu.memory_space<vmem_shared>>) target(%dma_start3A_42 : memref<128x128xf32, #tpu.memory_space<vmem>>) offsets(%dma_start3A_45 : memref<128xi32, #tpu.memory_space<vmem>>) semaphore(%dma_start3A_50 : memref<!tpu.dma_semaphore, #tpu.memory_space<semaphore_mem>>)
    %scan3A = arith.constant 0 : i32
    %scan3A_51 = arith.constant 0 : i32
    %scan3A_52 = arith.constant 16 : i32
    %scan3A_53 = arith.addi %scan3A_51, %scan3A_52 : i32
    %scan3A_54 = arith.constant 1 : i32
    %scan3A_55 = scf.for %scan3A_74 = %scan3A_51 to %scan3A_53 step %scan3A_54 iter_args(%scan3A_75 = %scan3A) -> (i32)  : i32 {
      %mul3A_76 = arith.constant 4 : i32
      %mul3A_77 = arith.muli %scan3A_74, %mul3A_76 : i32
      %add3A_78 = arith.constant 0 : i32
      %add3A_79 = arith.addi %mul3A_77, %add3A_78 : i32
      %jit3A = arith.constant 8 : i32
      %div3A = arith.divsi %add3A_79, %jit3A : i32
      %sign3A = arith.constant 0 : i32
      %sign3A_80 = arith.cmpi sgt, %add3A_79, %sign3A : i32
      %sign3A_81 = arith.extui %sign3A_80 : i1 to i32
      %sign3A_82 = arith.constant 0 : i32
      %sign3A_83 = arith.cmpi slt, %add3A_79, %sign3A_82 : i32
      %sign3A_84 = arith.extui %sign3A_83 : i1 to i32
      %sign3A_85 = arith.subi %sign3A_81, %sign3A_84 : i32
      %sign3A_86 = arith.constant 0 : i32
      %sign3A_87 = arith.cmpi sgt, %jit3A, %sign3A_86 : i32
      %sign3A_88 = arith.extui %sign3A_87 : i1 to i32
      %sign3A_89 = arith.constant 0 : i32
      %sign3A_90 = arith.cmpi slt, %jit3A, %sign3A_89 : i32
      %sign3A_91 = arith.extui %sign3A_90 : i1 to i32
      %sign3A_92 = arith.subi %sign3A_88, %sign3A_91 : i32
      %ne3A = arith.cmpi ne, %sign3A_85, %sign3A_92 : i32
      %rem3A = arith.remsi %add3A_79, %jit3A : i32
      %ne3A_93 = arith.constant 0 : i32
      %ne3A_94 = arith.cmpi ne, %rem3A, %ne3A_93 : i32
      %and3A = arith.andi %ne3A, %ne3A_94 : i1
      %sub3A = arith.constant 1 : i32
      %sub3A_95 = arith.subi %div3A, %sub3A : i32
      %select_n3A = arith.select %and3A, %sub3A_95, %div3A : i32
      %jit3A_96 = arith.constant 8 : i32
      %eq3A_97 = arith.constant 0 : i32
      %eq3A_98 = arith.cmpi eq, %jit3A_96, %eq3A_97 : i32
      %jit3A_99 = arith.constant 1 : i32
      %select_n3A_100 = arith.select %eq3A_98, %jit3A_99, %jit3A_96 : i32
      %rem3A_101 = arith.remsi %add3A_79, %select_n3A_100 : i32
      %ne3A_102 = arith.constant 0 : i32
      %ne3A_103 = arith.cmpi ne, %rem3A_101, %ne3A_102 : i32
      %lt3A = arith.constant 0 : i32
      %lt3A_104 = arith.cmpi slt, %rem3A_101, %lt3A : i32
      %lt3A_105 = arith.constant 0 : i32
      %lt3A_106 = arith.cmpi slt, %select_n3A_100, %lt3A_105 : i32
      %ne3A_107 = arith.xori %lt3A_104, %lt3A_106 : i1
      %and3A_108 = arith.andi %ne3A_107, %ne3A_103 : i1
      %add3A_109 = arith.addi %rem3A_101, %select_n3A_100 : i32
      %select_n3A_110 = arith.select %and3A_108, %add3A_109, %rem3A_101 : i32
      %mul3A_111 = arith.constant 128 : i32
      %mul3A_112 = arith.muli %select_n3A_110, %mul3A_111 : i32
      %dma_wait3A_113 = arith.constant 0 : i32
      %dma_wait3A_114 = arith.constant 0 : i32
      %dma_wait3A_115 = arith.constant 0 : i32
      %dma_wait3A_116 = arith.constant 0 : i32
      %dma_wait3A_117 = tpu.memref_slice %arg6[%dma_wait3A_113, %dma_wait3A_115, %dma_wait3A_116] : memref<4x128x128xf32, #tpu.memory_space<vmem>> -> memref<1x128x128xf32, #tpu.memory_space<vmem>>
      %dma_wait3A_118 = tpu.memref_squeeze %dma_wait3A_117 : memref<1x128x128xf32, #tpu.memory_space<vmem>> -> memref<128x128xf32, #tpu.memory_space<vmem>>
      %dma_wait3A_119 = tpu.memref_slice %arg5[%select_n3A, %mul3A_112] : memref<8x1024xi32, #tpu.memory_space<vmem>> -> memref<1x128xi32, #tpu.memory_space<vmem>>
      %dma_wait3A_120 = tpu.memref_squeeze %dma_wait3A_119 : memref<1x128xi32, #tpu.memory_space<vmem>> -> memref<128xi32, #tpu.memory_space<vmem>>
      %dma_wait3A_121 = arith.constant 0 : i32
      %dma_wait3A_122 = arith.constant 0 : i32
      %dma_wait3A_123 = tpu.memref_slice %arg7[%dma_wait3A_121, %dma_wait3A_122] : memref<4096x128xf32, #tpu.memory_space<vmem_shared>> -> memref<4096x128xf32, #tpu.memory_space<vmem_shared>>
      %dma_wait3A_124 = tpu.memref_slice %arg8[%dma_wait3A_114] : memref<4x!tpu.dma_semaphore, #tpu.memory_space<semaphore_mem>> -> memref<1x!tpu.dma_semaphore, #tpu.memory_space<semaphore_mem>>
      %dma_wait3A_125 = tpu.memref_squeeze %dma_wait3A_124 : memref<1x!tpu.dma_semaphore, #tpu.memory_space<semaphore_mem>> -> memref<!tpu.dma_semaphore, #tpu.memory_space<semaphore_mem>>
      tpu.wait_indirect_dma semaphore(%dma_wait3A_125 : memref<!tpu.dma_semaphore, #tpu.memory_space<semaphore_mem>>) src(%dma_wait3A_123 : memref<4096x128xf32, #tpu.memory_space<vmem_shared>>) dst(%dma_wait3A_118 : memref<128x128xf32, #tpu.memory_space<vmem>>)
      %mul3A_126 = arith.constant 128 : i32
      %mul3A_127 = arith.muli %add3A_79, %mul3A_126 : i32
      %add3A_128 = arith.addi %mul3A_6, %mul3A_127 : i32
      %dma_start3A_129 = arith.constant 0 : i32
      %dma_start3A_130 = arith.constant 0 : i32
      %dma_start3A_131 = arith.constant 0 : i32
      %dma_start3A_132 = arith.constant 0 : i32
      %dma_start3A_133 = tpu.memref_slice %arg6[%dma_start3A_129, %dma_start3A_131, %dma_start3A_132] : memref<4x128x128xf32, #tpu.memory_space<vmem>> -> memref<1x128x128xf32, #tpu.memory_space<vmem>>
      %dma_start3A_134 = tpu.memref_squeeze %dma_start3A_133 : memref<1x128x128xf32, #tpu.memory_space<vmem>> -> memref<128x128xf32, #tpu.memory_space<vmem>>
      %dma_start3A_135 = arith.constant 0 : i32
      %dma_start3A_136 = tpu.memref_slice %arg4[%add3A_128, %dma_start3A_135] : memref<262144x128xf32, #tpu.memory_space<hbm>> -> memref<128x128xf32, #tpu.memory_space<hbm>>
      %dma_start3A_137 = tpu.memref_slice %arg9[%dma_start3A_130] : memref<4x!tpu.dma_semaphore, #tpu.memory_space<semaphore_mem>> -> memref<1x!tpu.dma_semaphore, #tpu.memory_space<semaphore_mem>>
      %dma_start3A_138 = tpu.memref_squeeze %dma_start3A_137 : memref<1x!tpu.dma_semaphore, #tpu.memory_space<semaphore_mem>> -> memref<!tpu.dma_semaphore, #tpu.memory_space<semaphore_mem>>
      %dma_start3A_139 = arith.constant 0 : i32
      %dma_start3A_140 = tpu.memref_slice %arg4[%add3A_128, %dma_start3A_139] : memref<262144x128xf32, #tpu.memory_space<hbm>> -> memref<128x128xf32, #tpu.memory_space<hbm>>
      %dma_start3A_141 = arith.constant 0 : i32
      %dma_start3A_142 = arith.constant 0 : i32
      %dma_start3A_143 = tpu.memref_slice %arg6[%dma_start3A_129, %dma_start3A_141, %dma_start3A_142] : memref<4x128x128xf32, #tpu.memory_space<vmem>> -> memref<1x128x128xf32, #tpu.memory_space<vmem>>
      %dma_start3A_144 = tpu.memref_squeeze %dma_start3A_143 : memref<1x128x128xf32, #tpu.memory_space<vmem>> -> memref<128x128xf32, #tpu.memory_space<vmem>>
      tpu.enqueue_dma source(%dma_start3A_144 : memref<128x128xf32, #tpu.memory_space<vmem>>) target(%dma_start3A_140 : memref<128x128xf32, #tpu.memory_space<hbm>>) target_semaphore(%dma_start3A_138 : memref<!tpu.dma_semaphore, #tpu.memory_space<semaphore_mem>>)
      %add3A_145 = arith.constant 4 : i32
      %add3A_146 = arith.addi %add3A_79, %add3A_145 : i32
      %sub3A_147 = arith.constant 1 : i32
      %sub3A_148 = arith.subi %add3A_146, %sub3A_147 : i32
      %lt3A_149 = arith.constant 64 : i32
      %lt3A_150 = arith.cmpi slt, %sub3A_148, %lt3A_149 : i32
      %convert_element_type3A_151 = arith.extui %lt3A_150 : i1 to i32
      %cond3A_152 = arith.constant 0 : i32
      %cond3A_153 = arith.cmpi ne, %convert_element_type3A_151, %cond3A_152 : i32
      scf.if %cond3A_153 {
        %ge3A = arith.constant 1 : i32
        %ge3A_416 = arith.cmpi sge, %add3A_79, %ge3A : i32
        %convert_element_type3A_417 = arith.extui %ge3A_416 : i1 to i32
        %cond3A_418 = arith.constant 0 : i32
        %cond3A_419 = arith.cmpi ne, %convert_element_type3A_417, %cond3A_418 : i32
        scf.if %cond3A_419 {
          %sub3A_475 = arith.constant 1 : i32
          %sub3A_476 = arith.subi %add3A_79, %sub3A_475 : i32
          %mul3A_477 = arith.constant 128 : i32
          %mul3A_478 = arith.muli %sub3A_476, %mul3A_477 : i32
          %add3A_479 = arith.addi %mul3A_6, %mul3A_478 : i32
          %dma_wait3A_480 = arith.constant 3 : i32
          %dma_wait3A_481 = arith.constant 3 : i32
          %dma_wait3A_482 = arith.constant 0 : i32
          %dma_wait3A_483 = arith.constant 0 : i32
          %dma_wait3A_484 = tpu.memref_slice %arg6[%dma_wait3A_480, %dma_wait3A_482, %dma_wait3A_483] : memref<4x128x128xf32, #tpu.memory_space<vmem>> -> memref<1x128x128xf32, #tpu.memory_space<vmem>>
          %dma_wait3A_485 = tpu.memref_squeeze %dma_wait3A_484 : memref<1x128x128xf32, #tpu.memory_space<vmem>> -> memref<128x128xf32, #tpu.memory_space<vmem>>
          %dma_wait3A_486 = arith.constant 0 : i32
          %dma_wait3A_487 = tpu.memref_slice %arg4[%add3A_479, %dma_wait3A_486] : memref<262144x128xf32, #tpu.memory_space<hbm>> -> memref<128x128xf32, #tpu.memory_space<hbm>>
          %dma_wait3A_488 = tpu.memref_slice %arg9[%dma_wait3A_481] : memref<4x!tpu.dma_semaphore, #tpu.memory_space<semaphore_mem>> -> memref<1x!tpu.dma_semaphore, #tpu.memory_space<semaphore_mem>>
          %dma_wait3A_489 = tpu.memref_squeeze %dma_wait3A_488 : memref<1x!tpu.dma_semaphore, #tpu.memory_space<semaphore_mem>> -> memref<!tpu.dma_semaphore, #tpu.memory_space<semaphore_mem>>
          %dma_wait3A_490 = arith.constant 0 : i32
          %dma_wait3A_491 = tpu.memref_slice %arg4[%add3A_479, %dma_wait3A_490] : memref<262144x128xf32, #tpu.memory_space<hbm>> -> memref<128x128xf32, #tpu.memory_space<hbm>>
          %dma_wait3A_492 = arith.constant 0 : i32
          %dma_wait3A_493 = arith.constant 0 : i32
          %dma_wait3A_494 = tpu.memref_slice %arg6[%dma_wait3A_480, %dma_wait3A_492, %dma_wait3A_493] : memref<4x128x128xf32, #tpu.memory_space<vmem>> -> memref<1x128x128xf32, #tpu.memory_space<vmem>>
          %dma_wait3A_495 = tpu.memref_squeeze %dma_wait3A_494 : memref<1x128x128xf32, #tpu.memory_space<vmem>> -> memref<128x128xf32, #tpu.memory_space<vmem>>
          tpu.wait_dma2 semaphore(%dma_wait3A_489 : memref<!tpu.dma_semaphore, #tpu.memory_space<semaphore_mem>>) src(%dma_wait3A_495 : memref<128x128xf32, #tpu.memory_space<vmem>>) dst(%dma_wait3A_491 : memref<128x128xf32, #tpu.memory_space<hbm>>)
        } else {
        }
        %jit3A_420 = arith.constant 8 : i32
        %div3A_421 = arith.divsi %sub3A_148, %jit3A_420 : i32
        %sign3A_422 = arith.constant 0 : i32
        %sign3A_423 = arith.cmpi sgt, %sub3A_148, %sign3A_422 : i32
        %sign3A_424 = arith.extui %sign3A_423 : i1 to i32
        %sign3A_425 = arith.constant 0 : i32
        %sign3A_426 = arith.cmpi slt, %sub3A_148, %sign3A_425 : i32
        %sign3A_427 = arith.extui %sign3A_426 : i1 to i32
        %sign3A_428 = arith.subi %sign3A_424, %sign3A_427 : i32
        %sign3A_429 = arith.constant 0 : i32
        %sign3A_430 = arith.cmpi sgt, %jit3A_420, %sign3A_429 : i32
        %sign3A_431 = arith.extui %sign3A_430 : i1 to i32
        %sign3A_432 = arith.constant 0 : i32
        %sign3A_433 = arith.cmpi slt, %jit3A_420, %sign3A_432 : i32
        %sign3A_434 = arith.extui %sign3A_433 : i1 to i32
        %sign3A_435 = arith.subi %sign3A_431, %sign3A_434 : i32
        %ne3A_436 = arith.cmpi ne, %sign3A_428, %sign3A_435 : i32
        %rem3A_437 = arith.remsi %sub3A_148, %jit3A_420 : i32
        %ne3A_438 = arith.constant 0 : i32
        %ne3A_439 = arith.cmpi ne, %rem3A_437, %ne3A_438 : i32
        %and3A_440 = arith.andi %ne3A_436, %ne3A_439 : i1
        %sub3A_441 = arith.constant 1 : i32
        %sub3A_442 = arith.subi %div3A_421, %sub3A_441 : i32
        %select_n3A_443 = arith.select %and3A_440, %sub3A_442, %div3A_421 : i32
        %jit3A_444 = arith.constant 8 : i32
        %eq3A_445 = arith.constant 0 : i32
        %eq3A_446 = arith.cmpi eq, %jit3A_444, %eq3A_445 : i32
        %jit3A_447 = arith.constant 1 : i32
        %select_n3A_448 = arith.select %eq3A_446, %jit3A_447, %jit3A_444 : i32
        %rem3A_449 = arith.remsi %sub3A_148, %select_n3A_448 : i32
        %ne3A_450 = arith.constant 0 : i32
        %ne3A_451 = arith.cmpi ne, %rem3A_449, %ne3A_450 : i32
        %lt3A_452 = arith.constant 0 : i32
        %lt3A_453 = arith.cmpi slt, %rem3A_449, %lt3A_452 : i32
        %lt3A_454 = arith.constant 0 : i32
        %lt3A_455 = arith.cmpi slt, %select_n3A_448, %lt3A_454 : i32
        %ne3A_456 = arith.xori %lt3A_453, %lt3A_455 : i1
        %and3A_457 = arith.andi %ne3A_456, %ne3A_451 : i1
        %add3A_458 = arith.addi %rem3A_449, %select_n3A_448 : i32
        %select_n3A_459 = arith.select %and3A_457, %add3A_458, %rem3A_449 : i32
        %mul3A_460 = arith.constant 128 : i32
        %mul3A_461 = arith.muli %select_n3A_459, %mul3A_460 : i32
        %dma_start3A_462 = arith.constant 3 : i32
        %dma_start3A_463 = arith.constant 3 : i32
        %dma_start3A_464 = arith.constant 0 : i32
        %dma_start3A_465 = arith.constant 0 : i32
        %dma_start3A_466 = tpu.memref_slice %arg6[%dma_start3A_462, %dma_start3A_464, %dma_start3A_465] : memref<4x128x128xf32, #tpu.memory_space<vmem>> -> memref<1x128x128xf32, #tpu.memory_space<vmem>>
        %dma_start3A_467 = tpu.memref_squeeze %dma_start3A_466 : memref<1x128x128xf32, #tpu.memory_space<vmem>> -> memref<128x128xf32, #tpu.memory_space<vmem>>
        %dma_start3A_468 = tpu.memref_slice %arg5[%select_n3A_443, %mul3A_461] : memref<8x1024xi32, #tpu.memory_space<vmem>> -> memref<1x128xi32, #tpu.memory_space<vmem>>
        %dma_start3A_469 = tpu.memref_squeeze %dma_start3A_468 : memref<1x128xi32, #tpu.memory_space<vmem>> -> memref<128xi32, #tpu.memory_space<vmem>>
        %dma_start3A_470 = arith.constant 0 : i32
        %dma_start3A_471 = arith.constant 0 : i32
        %dma_start3A_472 = tpu.memref_slice %arg7[%dma_start3A_470, %dma_start3A_471] : memref<4096x128xf32, #tpu.memory_space<vmem_shared>> -> memref<4096x128xf32, #tpu.memory_space<vmem_shared>>
        %dma_start3A_473 = tpu.memref_slice %arg8[%dma_start3A_463] : memref<4x!tpu.dma_semaphore, #tpu.memory_space<semaphore_mem>> -> memref<1x!tpu.dma_semaphore, #tpu.memory_space<semaphore_mem>>
        %dma_start3A_474 = tpu.memref_squeeze %dma_start3A_473 : memref<1x!tpu.dma_semaphore, #tpu.memory_space<semaphore_mem>> -> memref<!tpu.dma_semaphore, #tpu.memory_space<semaphore_mem>>
        tpu.enqueue_indirect_dma source(%dma_start3A_472 : memref<4096x128xf32, #tpu.memory_space<vmem_shared>>) target(%dma_start3A_467 : memref<128x128xf32, #tpu.memory_space<vmem>>) offsets(%dma_start3A_469 : memref<128xi32, #tpu.memory_space<vmem>>) semaphore(%dma_start3A_474 : memref<!tpu.dma_semaphore, #tpu.memory_space<semaphore_mem>>)
      } else {
      }
      %mul3A_154 = arith.constant 4 : i32
      %mul3A_155 = arith.muli %scan3A_74, %mul3A_154 : i32
      %add3A_156 = arith.constant 1 : i32
      %add3A_157 = arith.addi %mul3A_155, %add3A_156 : i32
      %jit3A_158 = arith.constant 8 : i32
      %div3A_159 = arith.divsi %add3A_157, %jit3A_158 : i32
      %sign3A_160 = arith.constant 0 : i32
      %sign3A_161 = arith.cmpi sgt, %add3A_157, %sign3A_160 : i32
      %sign3A_162 = arith.extui %sign3A_161 : i1 to i32
      %sign3A_163 = arith.constant 0 : i32
      %sign3A_164 = arith.cmpi slt, %add3A_157, %sign3A_163 : i32
      %sign3A_165 = arith.extui %sign3A_164 : i1 to i32
      %sign3A_166 = arith.subi %sign3A_162, %sign3A_165 : i32
      %sign3A_167 = arith.constant 0 : i32
      %sign3A_168 = arith.cmpi sgt, %jit3A_158, %sign3A_167 : i32
      %sign3A_169 = arith.extui %sign3A_168 : i1 to i32
      %sign3A_170 = arith.constant 0 : i32
      %sign3A_171 = arith.cmpi slt, %jit3A_158, %sign3A_170 : i32
      %sign3A_172 = arith.extui %sign3A_171 : i1 to i32
      %sign3A_173 = arith.subi %sign3A_169, %sign3A_172 : i32
      %ne3A_174 = arith.cmpi ne, %sign3A_166, %sign3A_173 : i32
      %rem3A_175 = arith.remsi %add3A_157, %jit3A_158 : i32
      %ne3A_176 = arith.constant 0 : i32
      %ne3A_177 = arith.cmpi ne, %rem3A_175, %ne3A_176 : i32
      %and3A_178 = arith.andi %ne3A_174, %ne3A_177 : i1
      %sub3A_179 = arith.constant 1 : i32
      %sub3A_180 = arith.subi %div3A_159, %sub3A_179 : i32
      %select_n3A_181 = arith.select %and3A_178, %sub3A_180, %div3A_159 : i32
      %jit3A_182 = arith.constant 8 : i32
      %eq3A_183 = arith.constant 0 : i32
      %eq3A_184 = arith.cmpi eq, %jit3A_182, %eq3A_183 : i32
      %jit3A_185 = arith.constant 1 : i32
      %select_n3A_186 = arith.select %eq3A_184, %jit3A_185, %jit3A_182 : i32
      %rem3A_187 = arith.remsi %add3A_157, %select_n3A_186 : i32
      %ne3A_188 = arith.constant 0 : i32
      %ne3A_189 = arith.cmpi ne, %rem3A_187, %ne3A_188 : i32
      %lt3A_190 = arith.constant 0 : i32
      %lt3A_191 = arith.cmpi slt, %rem3A_187, %lt3A_190 : i32
      %lt3A_192 = arith.constant 0 : i32
      %lt3A_193 = arith.cmpi slt, %select_n3A_186, %lt3A_192 : i32
      %ne3A_194 = arith.xori %lt3A_191, %lt3A_193 : i1
      %and3A_195 = arith.andi %ne3A_194, %ne3A_189 : i1
      %add3A_196 = arith.addi %rem3A_187, %select_n3A_186 : i32
      %select_n3A_197 = arith.select %and3A_195, %add3A_196, %rem3A_187 : i32
      %mul3A_198 = arith.constant 128 : i32
      %mul3A_199 = arith.muli %select_n3A_197, %mul3A_198 : i32
      %dma_wait3A_200 = arith.constant 1 : i32
      %dma_wait3A_201 = arith.constant 1 : i32
      %dma_wait3A_202 = arith.constant 0 : i32
      %dma_wait3A_203 = arith.constant 0 : i32
      %dma_wait3A_204 = tpu.memref_slice %arg6[%dma_wait3A_200, %dma_wait3A_202, %dma_wait3A_203] : memref<4x128x128xf32, #tpu.memory_space<vmem>> -> memref<1x128x128xf32, #tpu.memory_space<vmem>>
      %dma_wait3A_205 = tpu.memref_squeeze %dma_wait3A_204 : memref<1x128x128xf32, #tpu.memory_space<vmem>> -> memref<128x128xf32, #tpu.memory_space<vmem>>
      %dma_wait3A_206 = tpu.memref_slice %arg5[%select_n3A_181, %mul3A_199] : memref<8x1024xi32, #tpu.memory_space<vmem>> -> memref<1x128xi32, #tpu.memory_space<vmem>>
      %dma_wait3A_207 = tpu.memref_squeeze %dma_wait3A_206 : memref<1x128xi32, #tpu.memory_space<vmem>> -> memref<128xi32, #tpu.memory_space<vmem>>
      %dma_wait3A_208 = arith.constant 0 : i32
      %dma_wait3A_209 = arith.constant 0 : i32
      %dma_wait3A_210 = tpu.memref_slice %arg7[%dma_wait3A_208, %dma_wait3A_209] : memref<4096x128xf32, #tpu.memory_space<vmem_shared>> -> memref<4096x128xf32, #tpu.memory_space<vmem_shared>>
      %dma_wait3A_211 = tpu.memref_slice %arg8[%dma_wait3A_201] : memref<4x!tpu.dma_semaphore, #tpu.memory_space<semaphore_mem>> -> memref<1x!tpu.dma_semaphore, #tpu.memory_space<semaphore_mem>>
      %dma_wait3A_212 = tpu.memref_squeeze %dma_wait3A_211 : memref<1x!tpu.dma_semaphore, #tpu.memory_space<semaphore_mem>> -> memref<!tpu.dma_semaphore, #tpu.memory_space<semaphore_mem>>
      tpu.wait_indirect_dma semaphore(%dma_wait3A_212 : memref<!tpu.dma_semaphore, #tpu.memory_space<semaphore_mem>>) src(%dma_wait3A_210 : memref<4096x128xf32, #tpu.memory_space<vmem_shared>>) dst(%dma_wait3A_205 : memref<128x128xf32, #tpu.memory_space<vmem>>)
      %mul3A_213 = arith.constant 128 : i32
      %mul3A_214 = arith.muli %add3A_157, %mul3A_213 : i32
      %add3A_215 = arith.addi %mul3A_6, %mul3A_214 : i32
      %dma_start3A_216 = arith.constant 1 : i32
      %dma_start3A_217 = arith.constant 1 : i32
      %dma_start3A_218 = arith.constant 0 : i32
      %dma_start3A_219 = arith.constant 0 : i32
      %dma_start3A_220 = tpu.memref_slice %arg6[%dma_start3A_216, %dma_start3A_218, %dma_start3A_219] : memref<4x128x128xf32, #tpu.memory_space<vmem>> -> memref<1x128x128xf32, #tpu.memory_space<vmem>>
      %dma_start3A_221 = tpu.memref_squeeze %dma_start3A_220 : memref<1x128x128xf32, #tpu.memory_space<vmem>> -> memref<128x128xf32, #tpu.memory_space<vmem>>
      %dma_start3A_222 = arith.constant 0 : i32
      %dma_start3A_223 = tpu.memref_slice %arg4[%add3A_215, %dma_start3A_222] : memref<262144x128xf32, #tpu.memory_space<hbm>> -> memref<128x128xf32, #tpu.memory_space<hbm>>
      %dma_start3A_224 = tpu.memref_slice %arg9[%dma_start3A_217] : memref<4x!tpu.dma_semaphore, #tpu.memory_space<semaphore_mem>> -> memref<1x!tpu.dma_semaphore, #tpu.memory_space<semaphore_mem>>
      %dma_start3A_225 = tpu.memref_squeeze %dma_start3A_224 : memref<1x!tpu.dma_semaphore, #tpu.memory_space<semaphore_mem>> -> memref<!tpu.dma_semaphore, #tpu.memory_space<semaphore_mem>>
      %dma_start3A_226 = arith.constant 0 : i32
      %dma_start3A_227 = tpu.memref_slice %arg4[%add3A_215, %dma_start3A_226] : memref<262144x128xf32, #tpu.memory_space<hbm>> -> memref<128x128xf32, #tpu.memory_space<hbm>>
      %dma_start3A_228 = arith.constant 0 : i32
      %dma_start3A_229 = arith.constant 0 : i32
      %dma_start3A_230 = tpu.memref_slice %arg6[%dma_start3A_216, %dma_start3A_228, %dma_start3A_229] : memref<4x128x128xf32, #tpu.memory_space<vmem>> -> memref<1x128x128xf32, #tpu.memory_space<vmem>>
      %dma_start3A_231 = tpu.memref_squeeze %dma_start3A_230 : memref<1x128x128xf32, #tpu.memory_space<vmem>> -> memref<128x128xf32, #tpu.memory_space<vmem>>
      tpu.enqueue_dma source(%dma_start3A_231 : memref<128x128xf32, #tpu.memory_space<vmem>>) target(%dma_start3A_227 : memref<128x128xf32, #tpu.memory_space<hbm>>) target_semaphore(%dma_start3A_225 : memref<!tpu.dma_semaphore, #tpu.memory_space<semaphore_mem>>)
      %add3A_232 = arith.constant 4 : i32
      %add3A_233 = arith.addi %add3A_157, %add3A_232 : i32
      %sub3A_234 = arith.constant 1 : i32
      %sub3A_235 = arith.subi %add3A_233, %sub3A_234 : i32
      %lt3A_236 = arith.constant 64 : i32
      %lt3A_237 = arith.cmpi slt, %sub3A_235, %lt3A_236 : i32
      %convert_element_type3A_238 = arith.extui %lt3A_237 : i1 to i32
      %cond3A_239 = arith.constant 0 : i32
      %cond3A_240 = arith.cmpi ne, %convert_element_type3A_238, %cond3A_239 : i32
      scf.if %cond3A_240 {
        %ge3A = arith.constant 1 : i32
        %ge3A_416 = arith.cmpi sge, %add3A_157, %ge3A : i32
        %convert_element_type3A_417 = arith.extui %ge3A_416 : i1 to i32
        %cond3A_418 = arith.constant 0 : i32
        %cond3A_419 = arith.cmpi ne, %convert_element_type3A_417, %cond3A_418 : i32
        scf.if %cond3A_419 {
          %sub3A_475 = arith.constant 1 : i32
          %sub3A_476 = arith.subi %add3A_157, %sub3A_475 : i32
          %mul3A_477 = arith.constant 128 : i32
          %mul3A_478 = arith.muli %sub3A_476, %mul3A_477 : i32
          %add3A_479 = arith.addi %mul3A_6, %mul3A_478 : i32
          %dma_wait3A_480 = arith.constant 0 : i32
          %dma_wait3A_481 = arith.constant 0 : i32
          %dma_wait3A_482 = arith.constant 0 : i32
          %dma_wait3A_483 = arith.constant 0 : i32
          %dma_wait3A_484 = tpu.memref_slice %arg6[%dma_wait3A_480, %dma_wait3A_482, %dma_wait3A_483] : memref<4x128x128xf32, #tpu.memory_space<vmem>> -> memref<1x128x128xf32, #tpu.memory_space<vmem>>
          %dma_wait3A_485 = tpu.memref_squeeze %dma_wait3A_484 : memref<1x128x128xf32, #tpu.memory_space<vmem>> -> memref<128x128xf32, #tpu.memory_space<vmem>>
          %dma_wait3A_486 = arith.constant 0 : i32
          %dma_wait3A_487 = tpu.memref_slice %arg4[%add3A_479, %dma_wait3A_486] : memref<262144x128xf32, #tpu.memory_space<hbm>> -> memref<128x128xf32, #tpu.memory_space<hbm>>
          %dma_wait3A_488 = tpu.memref_slice %arg9[%dma_wait3A_481] : memref<4x!tpu.dma_semaphore, #tpu.memory_space<semaphore_mem>> -> memref<1x!tpu.dma_semaphore, #tpu.memory_space<semaphore_mem>>
          %dma_wait3A_489 = tpu.memref_squeeze %dma_wait3A_488 : memref<1x!tpu.dma_semaphore, #tpu.memory_space<semaphore_mem>> -> memref<!tpu.dma_semaphore, #tpu.memory_space<semaphore_mem>>
          %dma_wait3A_490 = arith.constant 0 : i32
          %dma_wait3A_491 = tpu.memref_slice %arg4[%add3A_479, %dma_wait3A_490] : memref<262144x128xf32, #tpu.memory_space<hbm>> -> memref<128x128xf32, #tpu.memory_space<hbm>>
          %dma_wait3A_492 = arith.constant 0 : i32
          %dma_wait3A_493 = arith.constant 0 : i32
          %dma_wait3A_494 = tpu.memref_slice %arg6[%dma_wait3A_480, %dma_wait3A_492, %dma_wait3A_493] : memref<4x128x128xf32, #tpu.memory_space<vmem>> -> memref<1x128x128xf32, #tpu.memory_space<vmem>>
          %dma_wait3A_495 = tpu.memref_squeeze %dma_wait3A_494 : memref<1x128x128xf32, #tpu.memory_space<vmem>> -> memref<128x128xf32, #tpu.memory_space<vmem>>
          tpu.wait_dma2 semaphore(%dma_wait3A_489 : memref<!tpu.dma_semaphore, #tpu.memory_space<semaphore_mem>>) src(%dma_wait3A_495 : memref<128x128xf32, #tpu.memory_space<vmem>>) dst(%dma_wait3A_491 : memref<128x128xf32, #tpu.memory_space<hbm>>)
        } else {
        }
        %jit3A_420 = arith.constant 8 : i32
        %div3A_421 = arith.divsi %sub3A_235, %jit3A_420 : i32
        %sign3A_422 = arith.constant 0 : i32
        %sign3A_423 = arith.cmpi sgt, %sub3A_235, %sign3A_422 : i32
        %sign3A_424 = arith.extui %sign3A_423 : i1 to i32
        %sign3A_425 = arith.constant 0 : i32
        %sign3A_426 = arith.cmpi slt, %sub3A_235, %sign3A_425 : i32
        %sign3A_427 = arith.extui %sign3A_426 : i1 to i32
        %sign3A_428 = arith.subi %sign3A_424, %sign3A_427 : i32
        %sign3A_429 = arith.constant 0 : i32
        %sign3A_430 = arith.cmpi sgt, %jit3A_420, %sign3A_429 : i32
        %sign3A_431 = arith.extui %sign3A_430 : i1 to i32
        %sign3A_432 = arith.constant 0 : i32
        %sign3A_433 = arith.cmpi slt, %jit3A_420, %sign3A_432 : i32
        %sign3A_434 = arith.extui %sign3A_433 : i1 to i32
        %sign3A_435 = arith.subi %sign3A_431, %sign3A_434 : i32
        %ne3A_436 = arith.cmpi ne, %sign3A_428, %sign3A_435 : i32
        %rem3A_437 = arith.remsi %sub3A_235, %jit3A_420 : i32
        %ne3A_438 = arith.constant 0 : i32
        %ne3A_439 = arith.cmpi ne, %rem3A_437, %ne3A_438 : i32
        %and3A_440 = arith.andi %ne3A_436, %ne3A_439 : i1
        %sub3A_441 = arith.constant 1 : i32
        %sub3A_442 = arith.subi %div3A_421, %sub3A_441 : i32
        %select_n3A_443 = arith.select %and3A_440, %sub3A_442, %div3A_421 : i32
        %jit3A_444 = arith.constant 8 : i32
        %eq3A_445 = arith.constant 0 : i32
        %eq3A_446 = arith.cmpi eq, %jit3A_444, %eq3A_445 : i32
        %jit3A_447 = arith.constant 1 : i32
        %select_n3A_448 = arith.select %eq3A_446, %jit3A_447, %jit3A_444 : i32
        %rem3A_449 = arith.remsi %sub3A_235, %select_n3A_448 : i32
        %ne3A_450 = arith.constant 0 : i32
        %ne3A_451 = arith.cmpi ne, %rem3A_449, %ne3A_450 : i32
        %lt3A_452 = arith.constant 0 : i32
        %lt3A_453 = arith.cmpi slt, %rem3A_449, %lt3A_452 : i32
        %lt3A_454 = arith.constant 0 : i32
        %lt3A_455 = arith.cmpi slt, %select_n3A_448, %lt3A_454 : i32
        %ne3A_456 = arith.xori %lt3A_453, %lt3A_455 : i1
        %and3A_457 = arith.andi %ne3A_456, %ne3A_451 : i1
        %add3A_458 = arith.addi %rem3A_449, %select_n3A_448 : i32
        %select_n3A_459 = arith.select %and3A_457, %add3A_458, %rem3A_449 : i32
        %mul3A_460 = arith.constant 128 : i32
        %mul3A_461 = arith.muli %select_n3A_459, %mul3A_460 : i32
        %dma_start3A_462 = arith.constant 0 : i32
        %dma_start3A_463 = arith.constant 0 : i32
        %dma_start3A_464 = arith.constant 0 : i32
        %dma_start3A_465 = arith.constant 0 : i32
        %dma_start3A_466 = tpu.memref_slice %arg6[%dma_start3A_462, %dma_start3A_464, %dma_start3A_465] : memref<4x128x128xf32, #tpu.memory_space<vmem>> -> memref<1x128x128xf32, #tpu.memory_space<vmem>>
        %dma_start3A_467 = tpu.memref_squeeze %dma_start3A_466 : memref<1x128x128xf32, #tpu.memory_space<vmem>> -> memref<128x128xf32, #tpu.memory_space<vmem>>
        %dma_start3A_468 = tpu.memref_slice %arg5[%select_n3A_443, %mul3A_461] : memref<8x1024xi32, #tpu.memory_space<vmem>> -> memref<1x128xi32, #tpu.memory_space<vmem>>
        %dma_start3A_469 = tpu.memref_squeeze %dma_start3A_468 : memref<1x128xi32, #tpu.memory_space<vmem>> -> memref<128xi32, #tpu.memory_space<vmem>>
        %dma_start3A_470 = arith.constant 0 : i32
        %dma_start3A_471 = arith.constant 0 : i32
        %dma_start3A_472 = tpu.memref_slice %arg7[%dma_start3A_470, %dma_start3A_471] : memref<4096x128xf32, #tpu.memory_space<vmem_shared>> -> memref<4096x128xf32, #tpu.memory_space<vmem_shared>>
        %dma_start3A_473 = tpu.memref_slice %arg8[%dma_start3A_463] : memref<4x!tpu.dma_semaphore, #tpu.memory_space<semaphore_mem>> -> memref<1x!tpu.dma_semaphore, #tpu.memory_space<semaphore_mem>>
        %dma_start3A_474 = tpu.memref_squeeze %dma_start3A_473 : memref<1x!tpu.dma_semaphore, #tpu.memory_space<semaphore_mem>> -> memref<!tpu.dma_semaphore, #tpu.memory_space<semaphore_mem>>
        tpu.enqueue_indirect_dma source(%dma_start3A_472 : memref<4096x128xf32, #tpu.memory_space<vmem_shared>>) target(%dma_start3A_467 : memref<128x128xf32, #tpu.memory_space<vmem>>) offsets(%dma_start3A_469 : memref<128xi32, #tpu.memory_space<vmem>>) semaphore(%dma_start3A_474 : memref<!tpu.dma_semaphore, #tpu.memory_space<semaphore_mem>>)
      } else {
      }
      %mul3A_241 = arith.constant 4 : i32
      %mul3A_242 = arith.muli %scan3A_74, %mul3A_241 : i32
      %add3A_243 = arith.constant 2 : i32
      %add3A_244 = arith.addi %mul3A_242, %add3A_243 : i32
      %jit3A_245 = arith.constant 8 : i32
      %div3A_246 = arith.divsi %add3A_244, %jit3A_245 : i32
      %sign3A_247 = arith.constant 0 : i32
      %sign3A_248 = arith.cmpi sgt, %add3A_244, %sign3A_247 : i32
      %sign3A_249 = arith.extui %sign3A_248 : i1 to i32
      %sign3A_250 = arith.constant 0 : i32
      %sign3A_251 = arith.cmpi slt, %add3A_244, %sign3A_250 : i32
      %sign3A_252 = arith.extui %sign3A_251 : i1 to i32
      %sign3A_253 = arith.subi %sign3A_249, %sign3A_252 : i32
      %sign3A_254 = arith.constant 0 : i32
      %sign3A_255 = arith.cmpi sgt, %jit3A_245, %sign3A_254 : i32
      %sign3A_256 = arith.extui %sign3A_255 : i1 to i32
      %sign3A_257 = arith.constant 0 : i32
      %sign3A_258 = arith.cmpi slt, %jit3A_245, %sign3A_257 : i32
      %sign3A_259 = arith.extui %sign3A_258 : i1 to i32
      %sign3A_260 = arith.subi %sign3A_256, %sign3A_259 : i32
      %ne3A_261 = arith.cmpi ne, %sign3A_253, %sign3A_260 : i32
      %rem3A_262 = arith.remsi %add3A_244, %jit3A_245 : i32
      %ne3A_263 = arith.constant 0 : i32
      %ne3A_264 = arith.cmpi ne, %rem3A_262, %ne3A_263 : i32
      %and3A_265 = arith.andi %ne3A_261, %ne3A_264 : i1
      %sub3A_266 = arith.constant 1 : i32
      %sub3A_267 = arith.subi %div3A_246, %sub3A_266 : i32
      %select_n3A_268 = arith.select %and3A_265, %sub3A_267, %div3A_246 : i32
      %jit3A_269 = arith.constant 8 : i32
      %eq3A_270 = arith.constant 0 : i32
      %eq3A_271 = arith.cmpi eq, %jit3A_269, %eq3A_270 : i32
      %jit3A_272 = arith.constant 1 : i32
      %select_n3A_273 = arith.select %eq3A_271, %jit3A_272, %jit3A_269 : i32
      %rem3A_274 = arith.remsi %add3A_244, %select_n3A_273 : i32
      %ne3A_275 = arith.constant 0 : i32
      %ne3A_276 = arith.cmpi ne, %rem3A_274, %ne3A_275 : i32
      %lt3A_277 = arith.constant 0 : i32
      %lt3A_278 = arith.cmpi slt, %rem3A_274, %lt3A_277 : i32
      %lt3A_279 = arith.constant 0 : i32
      %lt3A_280 = arith.cmpi slt, %select_n3A_273, %lt3A_279 : i32
      %ne3A_281 = arith.xori %lt3A_278, %lt3A_280 : i1
      %and3A_282 = arith.andi %ne3A_281, %ne3A_276 : i1
      %add3A_283 = arith.addi %rem3A_274, %select_n3A_273 : i32
      %select_n3A_284 = arith.select %and3A_282, %add3A_283, %rem3A_274 : i32
      %mul3A_285 = arith.constant 128 : i32
      %mul3A_286 = arith.muli %select_n3A_284, %mul3A_285 : i32
      %dma_wait3A_287 = arith.constant 2 : i32
      %dma_wait3A_288 = arith.constant 2 : i32
      %dma_wait3A_289 = arith.constant 0 : i32
      %dma_wait3A_290 = arith.constant 0 : i32
      %dma_wait3A_291 = tpu.memref_slice %arg6[%dma_wait3A_287, %dma_wait3A_289, %dma_wait3A_290] : memref<4x128x128xf32, #tpu.memory_space<vmem>> -> memref<1x128x128xf32, #tpu.memory_space<vmem>>
      %dma_wait3A_292 = tpu.memref_squeeze %dma_wait3A_291 : memref<1x128x128xf32, #tpu.memory_space<vmem>> -> memref<128x128xf32, #tpu.memory_space<vmem>>
      %dma_wait3A_293 = tpu.memref_slice %arg5[%select_n3A_268, %mul3A_286] : memref<8x1024xi32, #tpu.memory_space<vmem>> -> memref<1x128xi32, #tpu.memory_space<vmem>>
      %dma_wait3A_294 = tpu.memref_squeeze %dma_wait3A_293 : memref<1x128xi32, #tpu.memory_space<vmem>> -> memref<128xi32, #tpu.memory_space<vmem>>
      %dma_wait3A_295 = arith.constant 0 : i32
      %dma_wait3A_296 = arith.constant 0 : i32
      %dma_wait3A_297 = tpu.memref_slice %arg7[%dma_wait3A_295, %dma_wait3A_296] : memref<4096x128xf32, #tpu.memory_space<vmem_shared>> -> memref<4096x128xf32, #tpu.memory_space<vmem_shared>>
      %dma_wait3A_298 = tpu.memref_slice %arg8[%dma_wait3A_288] : memref<4x!tpu.dma_semaphore, #tpu.memory_space<semaphore_mem>> -> memref<1x!tpu.dma_semaphore, #tpu.memory_space<semaphore_mem>>
      %dma_wait3A_299 = tpu.memref_squeeze %dma_wait3A_298 : memref<1x!tpu.dma_semaphore, #tpu.memory_space<semaphore_mem>> -> memref<!tpu.dma_semaphore, #tpu.memory_space<semaphore_mem>>
      tpu.wait_indirect_dma semaphore(%dma_wait3A_299 : memref<!tpu.dma_semaphore, #tpu.memory_space<semaphore_mem>>) src(%dma_wait3A_297 : memref<4096x128xf32, #tpu.memory_space<vmem_shared>>) dst(%dma_wait3A_292 : memref<128x128xf32, #tpu.memory_space<vmem>>)
      %mul3A_300 = arith.constant 128 : i32
      %mul3A_301 = arith.muli %add3A_244, %mul3A_300 : i32
      %add3A_302 = arith.addi %mul3A_6, %mul3A_301 : i32
      %dma_start3A_303 = arith.constant 2 : i32
      %dma_start3A_304 = arith.constant 2 : i32
      %dma_start3A_305 = arith.constant 0 : i32
      %dma_start3A_306 = arith.constant 0 : i32
      %dma_start3A_307 = tpu.memref_slice %arg6[%dma_start3A_303, %dma_start3A_305, %dma_start3A_306] : memref<4x128x128xf32, #tpu.memory_space<vmem>> -> memref<1x128x128xf32, #tpu.memory_space<vmem>>
      %dma_start3A_308 = tpu.memref_squeeze %dma_start3A_307 : memref<1x128x128xf32, #tpu.memory_space<vmem>> -> memref<128x128xf32, #tpu.memory_space<vmem>>
      %dma_start3A_309 = arith.constant 0 : i32
      %dma_start3A_310 = tpu.memref_slice %arg4[%add3A_302, %dma_start3A_309] : memref<262144x128xf32, #tpu.memory_space<hbm>> -> memref<128x128xf32, #tpu.memory_space<hbm>>
      %dma_start3A_311 = tpu.memref_slice %arg9[%dma_start3A_304] : memref<4x!tpu.dma_semaphore, #tpu.memory_space<semaphore_mem>> -> memref<1x!tpu.dma_semaphore, #tpu.memory_space<semaphore_mem>>
      %dma_start3A_312 = tpu.memref_squeeze %dma_start3A_311 : memref<1x!tpu.dma_semaphore, #tpu.memory_space<semaphore_mem>> -> memref<!tpu.dma_semaphore, #tpu.memory_space<semaphore_mem>>
      %dma_start3A_313 = arith.constant 0 : i32
      %dma_start3A_314 = tpu.memref_slice %arg4[%add3A_302, %dma_start3A_313] : memref<262144x128xf32, #tpu.memory_space<hbm>> -> memref<128x128xf32, #tpu.memory_space<hbm>>
      %dma_start3A_315 = arith.constant 0 : i32
      %dma_start3A_316 = arith.constant 0 : i32
      %dma_start3A_317 = tpu.memref_slice %arg6[%dma_start3A_303, %dma_start3A_315, %dma_start3A_316] : memref<4x128x128xf32, #tpu.memory_space<vmem>> -> memref<1x128x128xf32, #tpu.memory_space<vmem>>
      %dma_start3A_318 = tpu.memref_squeeze %dma_start3A_317 : memref<1x128x128xf32, #tpu.memory_space<vmem>> -> memref<128x128xf32, #tpu.memory_space<vmem>>
      tpu.enqueue_dma source(%dma_start3A_318 : memref<128x128xf32, #tpu.memory_space<vmem>>) target(%dma_start3A_314 : memref<128x128xf32, #tpu.memory_space<hbm>>) target_semaphore(%dma_start3A_312 : memref<!tpu.dma_semaphore, #tpu.memory_space<semaphore_mem>>)
      %add3A_319 = arith.constant 4 : i32
      %add3A_320 = arith.addi %add3A_244, %add3A_319 : i32
      %sub3A_321 = arith.constant 1 : i32
      %sub3A_322 = arith.subi %add3A_320, %sub3A_321 : i32
      %lt3A_323 = arith.constant 64 : i32
      %lt3A_324 = arith.cmpi slt, %sub3A_322, %lt3A_323 : i32
      %convert_element_type3A_325 = arith.extui %lt3A_324 : i1 to i32
      %cond3A_326 = arith.constant 0 : i32
      %cond3A_327 = arith.cmpi ne, %convert_element_type3A_325, %cond3A_326 : i32
      scf.if %cond3A_327 {
        %ge3A = arith.constant 1 : i32
        %ge3A_416 = arith.cmpi sge, %add3A_244, %ge3A : i32
        %convert_element_type3A_417 = arith.extui %ge3A_416 : i1 to i32
        %cond3A_418 = arith.constant 0 : i32
        %cond3A_419 = arith.cmpi ne, %convert_element_type3A_417, %cond3A_418 : i32
        scf.if %cond3A_419 {
          %sub3A_475 = arith.constant 1 : i32
          %sub3A_476 = arith.subi %add3A_244, %sub3A_475 : i32
          %mul3A_477 = arith.constant 128 : i32
          %mul3A_478 = arith.muli %sub3A_476, %mul3A_477 : i32
          %add3A_479 = arith.addi %mul3A_6, %mul3A_478 : i32
          %dma_wait3A_480 = arith.constant 1 : i32
          %dma_wait3A_481 = arith.constant 1 : i32
          %dma_wait3A_482 = arith.constant 0 : i32
          %dma_wait3A_483 = arith.constant 0 : i32
          %dma_wait3A_484 = tpu.memref_slice %arg6[%dma_wait3A_480, %dma_wait3A_482, %dma_wait3A_483] : memref<4x128x128xf32, #tpu.memory_space<vmem>> -> memref<1x128x128xf32, #tpu.memory_space<vmem>>
          %dma_wait3A_485 = tpu.memref_squeeze %dma_wait3A_484 : memref<1x128x128xf32, #tpu.memory_space<vmem>> -> memref<128x128xf32, #tpu.memory_space<vmem>>
          %dma_wait3A_486 = arith.constant 0 : i32
          %dma_wait3A_487 = tpu.memref_slice %arg4[%add3A_479, %dma_wait3A_486] : memref<262144x128xf32, #tpu.memory_space<hbm>> -> memref<128x128xf32, #tpu.memory_space<hbm>>
          %dma_wait3A_488 = tpu.memref_slice %arg9[%dma_wait3A_481] : memref<4x!tpu.dma_semaphore, #tpu.memory_space<semaphore_mem>> -> memref<1x!tpu.dma_semaphore, #tpu.memory_space<semaphore_mem>>
          %dma_wait3A_489 = tpu.memref_squeeze %dma_wait3A_488 : memref<1x!tpu.dma_semaphore, #tpu.memory_space<semaphore_mem>> -> memref<!tpu.dma_semaphore, #tpu.memory_space<semaphore_mem>>
          %dma_wait3A_490 = arith.constant 0 : i32
          %dma_wait3A_491 = tpu.memref_slice %arg4[%add3A_479, %dma_wait3A_490] : memref<262144x128xf32, #tpu.memory_space<hbm>> -> memref<128x128xf32, #tpu.memory_space<hbm>>
          %dma_wait3A_492 = arith.constant 0 : i32
          %dma_wait3A_493 = arith.constant 0 : i32
          %dma_wait3A_494 = tpu.memref_slice %arg6[%dma_wait3A_480, %dma_wait3A_492, %dma_wait3A_493] : memref<4x128x128xf32, #tpu.memory_space<vmem>> -> memref<1x128x128xf32, #tpu.memory_space<vmem>>
          %dma_wait3A_495 = tpu.memref_squeeze %dma_wait3A_494 : memref<1x128x128xf32, #tpu.memory_space<vmem>> -> memref<128x128xf32, #tpu.memory_space<vmem>>
          tpu.wait_dma2 semaphore(%dma_wait3A_489 : memref<!tpu.dma_semaphore, #tpu.memory_space<semaphore_mem>>) src(%dma_wait3A_495 : memref<128x128xf32, #tpu.memory_space<vmem>>) dst(%dma_wait3A_491 : memref<128x128xf32, #tpu.memory_space<hbm>>)
        } else {
        }
        %jit3A_420 = arith.constant 8 : i32
        %div3A_421 = arith.divsi %sub3A_322, %jit3A_420 : i32
        %sign3A_422 = arith.constant 0 : i32
        %sign3A_423 = arith.cmpi sgt, %sub3A_322, %sign3A_422 : i32
        %sign3A_424 = arith.extui %sign3A_423 : i1 to i32
        %sign3A_425 = arith.constant 0 : i32
        %sign3A_426 = arith.cmpi slt, %sub3A_322, %sign3A_425 : i32
        %sign3A_427 = arith.extui %sign3A_426 : i1 to i32
        %sign3A_428 = arith.subi %sign3A_424, %sign3A_427 : i32
        %sign3A_429 = arith.constant 0 : i32
        %sign3A_430 = arith.cmpi sgt, %jit3A_420, %sign3A_429 : i32
        %sign3A_431 = arith.extui %sign3A_430 : i1 to i32
        %sign3A_432 = arith.constant 0 : i32
        %sign3A_433 = arith.cmpi slt, %jit3A_420, %sign3A_432 : i32
        %sign3A_434 = arith.extui %sign3A_433 : i1 to i32
        %sign3A_435 = arith.subi %sign3A_431, %sign3A_434 : i32
        %ne3A_436 = arith.cmpi ne, %sign3A_428, %sign3A_435 : i32
        %rem3A_437 = arith.remsi %sub3A_322, %jit3A_420 : i32
        %ne3A_438 = arith.constant 0 : i32
        %ne3A_439 = arith.cmpi ne, %rem3A_437, %ne3A_438 : i32
        %and3A_440 = arith.andi %ne3A_436, %ne3A_439 : i1
        %sub3A_441 = arith.constant 1 : i32
        %sub3A_442 = arith.subi %div3A_421, %sub3A_441 : i32
        %select_n3A_443 = arith.select %and3A_440, %sub3A_442, %div3A_421 : i32
        %jit3A_444 = arith.constant 8 : i32
        %eq3A_445 = arith.constant 0 : i32
        %eq3A_446 = arith.cmpi eq, %jit3A_444, %eq3A_445 : i32
        %jit3A_447 = arith.constant 1 : i32
        %select_n3A_448 = arith.select %eq3A_446, %jit3A_447, %jit3A_444 : i32
        %rem3A_449 = arith.remsi %sub3A_322, %select_n3A_448 : i32
        %ne3A_450 = arith.constant 0 : i32
        %ne3A_451 = arith.cmpi ne, %rem3A_449, %ne3A_450 : i32
        %lt3A_452 = arith.constant 0 : i32
        %lt3A_453 = arith.cmpi slt, %rem3A_449, %lt3A_452 : i32
        %lt3A_454 = arith.constant 0 : i32
        %lt3A_455 = arith.cmpi slt, %select_n3A_448, %lt3A_454 : i32
        %ne3A_456 = arith.xori %lt3A_453, %lt3A_455 : i1
        %and3A_457 = arith.andi %ne3A_456, %ne3A_451 : i1
        %add3A_458 = arith.addi %rem3A_449, %select_n3A_448 : i32
        %select_n3A_459 = arith.select %and3A_457, %add3A_458, %rem3A_449 : i32
        %mul3A_460 = arith.constant 128 : i32
        %mul3A_461 = arith.muli %select_n3A_459, %mul3A_460 : i32
        %dma_start3A_462 = arith.constant 1 : i32
        %dma_start3A_463 = arith.constant 1 : i32
        %dma_start3A_464 = arith.constant 0 : i32
        %dma_start3A_465 = arith.constant 0 : i32
        %dma_start3A_466 = tpu.memref_slice %arg6[%dma_start3A_462, %dma_start3A_464, %dma_start3A_465] : memref<4x128x128xf32, #tpu.memory_space<vmem>> -> memref<1x128x128xf32, #tpu.memory_space<vmem>>
        %dma_start3A_467 = tpu.memref_squeeze %dma_start3A_466 : memref<1x128x128xf32, #tpu.memory_space<vmem>> -> memref<128x128xf32, #tpu.memory_space<vmem>>
        %dma_start3A_468 = tpu.memref_slice %arg5[%select_n3A_443, %mul3A_461] : memref<8x1024xi32, #tpu.memory_space<vmem>> -> memref<1x128xi32, #tpu.memory_space<vmem>>
        %dma_start3A_469 = tpu.memref_squeeze %dma_start3A_468 : memref<1x128xi32, #tpu.memory_space<vmem>> -> memref<128xi32, #tpu.memory_space<vmem>>
        %dma_start3A_470 = arith.constant 0 : i32
        %dma_start3A_471 = arith.constant 0 : i32
        %dma_start3A_472 = tpu.memref_slice %arg7[%dma_start3A_470, %dma_start3A_471] : memref<4096x128xf32, #tpu.memory_space<vmem_shared>> -> memref<4096x128xf32, #tpu.memory_space<vmem_shared>>
        %dma_start3A_473 = tpu.memref_slice %arg8[%dma_start3A_463] : memref<4x!tpu.dma_semaphore, #tpu.memory_space<semaphore_mem>> -> memref<1x!tpu.dma_semaphore, #tpu.memory_space<semaphore_mem>>
        %dma_start3A_474 = tpu.memref_squeeze %dma_start3A_473 : memref<1x!tpu.dma_semaphore, #tpu.memory_space<semaphore_mem>> -> memref<!tpu.dma_semaphore, #tpu.memory_space<semaphore_mem>>
        tpu.enqueue_indirect_dma source(%dma_start3A_472 : memref<4096x128xf32, #tpu.memory_space<vmem_shared>>) target(%dma_start3A_467 : memref<128x128xf32, #tpu.memory_space<vmem>>) offsets(%dma_start3A_469 : memref<128xi32, #tpu.memory_space<vmem>>) semaphore(%dma_start3A_474 : memref<!tpu.dma_semaphore, #tpu.memory_space<semaphore_mem>>)
      } else {
      }
      %mul3A_328 = arith.constant 4 : i32
      %mul3A_329 = arith.muli %scan3A_74, %mul3A_328 : i32
      %add3A_330 = arith.constant 3 : i32
      %add3A_331 = arith.addi %mul3A_329, %add3A_330 : i32
      %jit3A_332 = arith.constant 8 : i32
      %div3A_333 = arith.divsi %add3A_331, %jit3A_332 : i32
      %sign3A_334 = arith.constant 0 : i32
      %sign3A_335 = arith.cmpi sgt, %add3A_331, %sign3A_334 : i32
      %sign3A_336 = arith.extui %sign3A_335 : i1 to i32
      %sign3A_337 = arith.constant 0 : i32
      %sign3A_338 = arith.cmpi slt, %add3A_331, %sign3A_337 : i32
      %sign3A_339 = arith.extui %sign3A_338 : i1 to i32
      %sign3A_340 = arith.subi %sign3A_336, %sign3A_339 : i32
      %sign3A_341 = arith.constant 0 : i32
      %sign3A_342 = arith.cmpi sgt, %jit3A_332, %sign3A_341 : i32
      %sign3A_343 = arith.extui %sign3A_342 : i1 to i32
      %sign3A_344 = arith.constant 0 : i32
      %sign3A_345 = arith.cmpi slt, %jit3A_332, %sign3A_344 : i32
      %sign3A_346 = arith.extui %sign3A_345 : i1 to i32
      %sign3A_347 = arith.subi %sign3A_343, %sign3A_346 : i32
      %ne3A_348 = arith.cmpi ne, %sign3A_340, %sign3A_347 : i32
      %rem3A_349 = arith.remsi %add3A_331, %jit3A_332 : i32
      %ne3A_350 = arith.constant 0 : i32
      %ne3A_351 = arith.cmpi ne, %rem3A_349, %ne3A_350 : i32
      %and3A_352 = arith.andi %ne3A_348, %ne3A_351 : i1
      %sub3A_353 = arith.constant 1 : i32
      %sub3A_354 = arith.subi %div3A_333, %sub3A_353 : i32
      %select_n3A_355 = arith.select %and3A_352, %sub3A_354, %div3A_333 : i32
      %jit3A_356 = arith.constant 8 : i32
      %eq3A_357 = arith.constant 0 : i32
      %eq3A_358 = arith.cmpi eq, %jit3A_356, %eq3A_357 : i32
      %jit3A_359 = arith.constant 1 : i32
      %select_n3A_360 = arith.select %eq3A_358, %jit3A_359, %jit3A_356 : i32
      %rem3A_361 = arith.remsi %add3A_331, %select_n3A_360 : i32
      %ne3A_362 = arith.constant 0 : i32
      %ne3A_363 = arith.cmpi ne, %rem3A_361, %ne3A_362 : i32
      %lt3A_364 = arith.constant 0 : i32
      %lt3A_365 = arith.cmpi slt, %rem3A_361, %lt3A_364 : i32
      %lt3A_366 = arith.constant 0 : i32
      %lt3A_367 = arith.cmpi slt, %select_n3A_360, %lt3A_366 : i32
      %ne3A_368 = arith.xori %lt3A_365, %lt3A_367 : i1
      %and3A_369 = arith.andi %ne3A_368, %ne3A_363 : i1
      %add3A_370 = arith.addi %rem3A_361, %select_n3A_360 : i32
      %select_n3A_371 = arith.select %and3A_369, %add3A_370, %rem3A_361 : i32
      %mul3A_372 = arith.constant 128 : i32
      %mul3A_373 = arith.muli %select_n3A_371, %mul3A_372 : i32
      %dma_wait3A_374 = arith.constant 3 : i32
      %dma_wait3A_375 = arith.constant 3 : i32
      %dma_wait3A_376 = arith.constant 0 : i32
      %dma_wait3A_377 = arith.constant 0 : i32
      %dma_wait3A_378 = tpu.memref_slice %arg6[%dma_wait3A_374, %dma_wait3A_376, %dma_wait3A_377] : memref<4x128x128xf32, #tpu.memory_space<vmem>> -> memref<1x128x128xf32, #tpu.memory_space<vmem>>
      %dma_wait3A_379 = tpu.memref_squeeze %dma_wait3A_378 : memref<1x128x128xf32, #tpu.memory_space<vmem>> -> memref<128x128xf32, #tpu.memory_space<vmem>>
      %dma_wait3A_380 = tpu.memref_slice %arg5[%select_n3A_355, %mul3A_373] : memref<8x1024xi32, #tpu.memory_space<vmem>> -> memref<1x128xi32, #tpu.memory_space<vmem>>
      %dma_wait3A_381 = tpu.memref_squeeze %dma_wait3A_380 : memref<1x128xi32, #tpu.memory_space<vmem>> -> memref<128xi32, #tpu.memory_space<vmem>>
      %dma_wait3A_382 = arith.constant 0 : i32
      %dma_wait3A_383 = arith.constant 0 : i32
      %dma_wait3A_384 = tpu.memref_slice %arg7[%dma_wait3A_382, %dma_wait3A_383] : memref<4096x128xf32, #tpu.memory_space<vmem_shared>> -> memref<4096x128xf32, #tpu.memory_space<vmem_shared>>
      %dma_wait3A_385 = tpu.memref_slice %arg8[%dma_wait3A_375] : memref<4x!tpu.dma_semaphore, #tpu.memory_space<semaphore_mem>> -> memref<1x!tpu.dma_semaphore, #tpu.memory_space<semaphore_mem>>
      %dma_wait3A_386 = tpu.memref_squeeze %dma_wait3A_385 : memref<1x!tpu.dma_semaphore, #tpu.memory_space<semaphore_mem>> -> memref<!tpu.dma_semaphore, #tpu.memory_space<semaphore_mem>>
      tpu.wait_indirect_dma semaphore(%dma_wait3A_386 : memref<!tpu.dma_semaphore, #tpu.memory_space<semaphore_mem>>) src(%dma_wait3A_384 : memref<4096x128xf32, #tpu.memory_space<vmem_shared>>) dst(%dma_wait3A_379 : memref<128x128xf32, #tpu.memory_space<vmem>>)
      %mul3A_387 = arith.constant 128 : i32
      %mul3A_388 = arith.muli %add3A_331, %mul3A_387 : i32
      %add3A_389 = arith.addi %mul3A_6, %mul3A_388 : i32
      %dma_start3A_390 = arith.constant 3 : i32
      %dma_start3A_391 = arith.constant 3 : i32
      %dma_start3A_392 = arith.constant 0 : i32
      %dma_start3A_393 = arith.constant 0 : i32
      %dma_start3A_394 = tpu.memref_slice %arg6[%dma_start3A_390, %dma_start3A_392, %dma_start3A_393] : memref<4x128x128xf32, #tpu.memory_space<vmem>> -> memref<1x128x128xf32, #tpu.memory_space<vmem>>
      %dma_start3A_395 = tpu.memref_squeeze %dma_start3A_394 : memref<1x128x128xf32, #tpu.memory_space<vmem>> -> memref<128x128xf32, #tpu.memory_space<vmem>>
      %dma_start3A_396 = arith.constant 0 : i32
      %dma_start3A_397 = tpu.memref_slice %arg4[%add3A_389, %dma_start3A_396] : memref<262144x128xf32, #tpu.memory_space<hbm>> -> memref<128x128xf32, #tpu.memory_space<hbm>>
      %dma_start3A_398 = tpu.memref_slice %arg9[%dma_start3A_391] : memref<4x!tpu.dma_semaphore, #tpu.memory_space<semaphore_mem>> -> memref<1x!tpu.dma_semaphore, #tpu.memory_space<semaphore_mem>>
      %dma_start3A_399 = tpu.memref_squeeze %dma_start3A_398 : memref<1x!tpu.dma_semaphore, #tpu.memory_space<semaphore_mem>> -> memref<!tpu.dma_semaphore, #tpu.memory_space<semaphore_mem>>
      %dma_start3A_400 = arith.constant 0 : i32
      %dma_start3A_401 = tpu.memref_slice %arg4[%add3A_389, %dma_start3A_400] : memref<262144x128xf32, #tpu.memory_space<hbm>> -> memref<128x128xf32, #tpu.memory_space<hbm>>
      %dma_start3A_402 = arith.constant 0 : i32
      %dma_start3A_403 = arith.constant 0 : i32
      %dma_start3A_404 = tpu.memref_slice %arg6[%dma_start3A_390, %dma_start3A_402, %dma_start3A_403] : memref<4x128x128xf32, #tpu.memory_space<vmem>> -> memref<1x128x128xf32, #tpu.memory_space<vmem>>
      %dma_start3A_405 = tpu.memref_squeeze %dma_start3A_404 : memref<1x128x128xf32, #tpu.memory_space<vmem>> -> memref<128x128xf32, #tpu.memory_space<vmem>>
      tpu.enqueue_dma source(%dma_start3A_405 : memref<128x128xf32, #tpu.memory_space<vmem>>) target(%dma_start3A_401 : memref<128x128xf32, #tpu.memory_space<hbm>>) target_semaphore(%dma_start3A_399 : memref<!tpu.dma_semaphore, #tpu.memory_space<semaphore_mem>>)
      %add3A_406 = arith.constant 4 : i32
      %add3A_407 = arith.addi %add3A_331, %add3A_406 : i32
      %sub3A_408 = arith.constant 1 : i32
      %sub3A_409 = arith.subi %add3A_407, %sub3A_408 : i32
      %lt3A_410 = arith.constant 64 : i32
      %lt3A_411 = arith.cmpi slt, %sub3A_409, %lt3A_410 : i32
      %convert_element_type3A_412 = arith.extui %lt3A_411 : i1 to i32
      %cond3A_413 = arith.constant 0 : i32
      %cond3A_414 = arith.cmpi ne, %convert_element_type3A_412, %cond3A_413 : i32
      scf.if %cond3A_414 {
        %ge3A = arith.constant 1 : i32
        %ge3A_416 = arith.cmpi sge, %add3A_331, %ge3A : i32
        %convert_element_type3A_417 = arith.extui %ge3A_416 : i1 to i32
        %cond3A_418 = arith.constant 0 : i32
        %cond3A_419 = arith.cmpi ne, %convert_element_type3A_417, %cond3A_418 : i32
        scf.if %cond3A_419 {
          %sub3A_475 = arith.constant 1 : i32
          %sub3A_476 = arith.subi %add3A_331, %sub3A_475 : i32
          %mul3A_477 = arith.constant 128 : i32
          %mul3A_478 = arith.muli %sub3A_476, %mul3A_477 : i32
          %add3A_479 = arith.addi %mul3A_6, %mul3A_478 : i32
          %dma_wait3A_480 = arith.constant 2 : i32
          %dma_wait3A_481 = arith.constant 2 : i32
          %dma_wait3A_482 = arith.constant 0 : i32
          %dma_wait3A_483 = arith.constant 0 : i32
          %dma_wait3A_484 = tpu.memref_slice %arg6[%dma_wait3A_480, %dma_wait3A_482, %dma_wait3A_483] : memref<4x128x128xf32, #tpu.memory_space<vmem>> -> memref<1x128x128xf32, #tpu.memory_space<vmem>>
          %dma_wait3A_485 = tpu.memref_squeeze %dma_wait3A_484 : memref<1x128x128xf32, #tpu.memory_space<vmem>> -> memref<128x128xf32, #tpu.memory_space<vmem>>
          %dma_wait3A_486 = arith.constant 0 : i32
          %dma_wait3A_487 = tpu.memref_slice %arg4[%add3A_479, %dma_wait3A_486] : memref<262144x128xf32, #tpu.memory_space<hbm>> -> memref<128x128xf32, #tpu.memory_space<hbm>>
          %dma_wait3A_488 = tpu.memref_slice %arg9[%dma_wait3A_481] : memref<4x!tpu.dma_semaphore, #tpu.memory_space<semaphore_mem>> -> memref<1x!tpu.dma_semaphore, #tpu.memory_space<semaphore_mem>>
          %dma_wait3A_489 = tpu.memref_squeeze %dma_wait3A_488 : memref<1x!tpu.dma_semaphore, #tpu.memory_space<semaphore_mem>> -> memref<!tpu.dma_semaphore, #tpu.memory_space<semaphore_mem>>
          %dma_wait3A_490 = arith.constant 0 : i32
          %dma_wait3A_491 = tpu.memref_slice %arg4[%add3A_479, %dma_wait3A_490] : memref<262144x128xf32, #tpu.memory_space<hbm>> -> memref<128x128xf32, #tpu.memory_space<hbm>>
          %dma_wait3A_492 = arith.constant 0 : i32
          %dma_wait3A_493 = arith.constant 0 : i32
          %dma_wait3A_494 = tpu.memref_slice %arg6[%dma_wait3A_480, %dma_wait3A_492, %dma_wait3A_493] : memref<4x128x128xf32, #tpu.memory_space<vmem>> -> memref<1x128x128xf32, #tpu.memory_space<vmem>>
          %dma_wait3A_495 = tpu.memref_squeeze %dma_wait3A_494 : memref<1x128x128xf32, #tpu.memory_space<vmem>> -> memref<128x128xf32, #tpu.memory_space<vmem>>
          tpu.wait_dma2 semaphore(%dma_wait3A_489 : memref<!tpu.dma_semaphore, #tpu.memory_space<semaphore_mem>>) src(%dma_wait3A_495 : memref<128x128xf32, #tpu.memory_space<vmem>>) dst(%dma_wait3A_491 : memref<128x128xf32, #tpu.memory_space<hbm>>)
        } else {
        }
        %jit3A_420 = arith.constant 8 : i32
        %div3A_421 = arith.divsi %sub3A_409, %jit3A_420 : i32
        %sign3A_422 = arith.constant 0 : i32
        %sign3A_423 = arith.cmpi sgt, %sub3A_409, %sign3A_422 : i32
        %sign3A_424 = arith.extui %sign3A_423 : i1 to i32
        %sign3A_425 = arith.constant 0 : i32
        %sign3A_426 = arith.cmpi slt, %sub3A_409, %sign3A_425 : i32
        %sign3A_427 = arith.extui %sign3A_426 : i1 to i32
        %sign3A_428 = arith.subi %sign3A_424, %sign3A_427 : i32
        %sign3A_429 = arith.constant 0 : i32
        %sign3A_430 = arith.cmpi sgt, %jit3A_420, %sign3A_429 : i32
        %sign3A_431 = arith.extui %sign3A_430 : i1 to i32
        %sign3A_432 = arith.constant 0 : i32
        %sign3A_433 = arith.cmpi slt, %jit3A_420, %sign3A_432 : i32
        %sign3A_434 = arith.extui %sign3A_433 : i1 to i32
        %sign3A_435 = arith.subi %sign3A_431, %sign3A_434 : i32
        %ne3A_436 = arith.cmpi ne, %sign3A_428, %sign3A_435 : i32
        %rem3A_437 = arith.remsi %sub3A_409, %jit3A_420 : i32
        %ne3A_438 = arith.constant 0 : i32
        %ne3A_439 = arith.cmpi ne, %rem3A_437, %ne3A_438 : i32
        %and3A_440 = arith.andi %ne3A_436, %ne3A_439 : i1
        %sub3A_441 = arith.constant 1 : i32
        %sub3A_442 = arith.subi %div3A_421, %sub3A_441 : i32
        %select_n3A_443 = arith.select %and3A_440, %sub3A_442, %div3A_421 : i32
        %jit3A_444 = arith.constant 8 : i32
        %eq3A_445 = arith.constant 0 : i32
        %eq3A_446 = arith.cmpi eq, %jit3A_444, %eq3A_445 : i32
        %jit3A_447 = arith.constant 1 : i32
        %select_n3A_448 = arith.select %eq3A_446, %jit3A_447, %jit3A_444 : i32
        %rem3A_449 = arith.remsi %sub3A_409, %select_n3A_448 : i32
        %ne3A_450 = arith.constant 0 : i32
        %ne3A_451 = arith.cmpi ne, %rem3A_449, %ne3A_450 : i32
        %lt3A_452 = arith.constant 0 : i32
        %lt3A_453 = arith.cmpi slt, %rem3A_449, %lt3A_452 : i32
        %lt3A_454 = arith.constant 0 : i32
        %lt3A_455 = arith.cmpi slt, %select_n3A_448, %lt3A_454 : i32
        %ne3A_456 = arith.xori %lt3A_453, %lt3A_455 : i1
        %and3A_457 = arith.andi %ne3A_456, %ne3A_451 : i1
        %add3A_458 = arith.addi %rem3A_449, %select_n3A_448 : i32
        %select_n3A_459 = arith.select %and3A_457, %add3A_458, %rem3A_449 : i32
        %mul3A_460 = arith.constant 128 : i32
        %mul3A_461 = arith.muli %select_n3A_459, %mul3A_460 : i32
        %dma_start3A_462 = arith.constant 2 : i32
        %dma_start3A_463 = arith.constant 2 : i32
        %dma_start3A_464 = arith.constant 0 : i32
        %dma_start3A_465 = arith.constant 0 : i32
        %dma_start3A_466 = tpu.memref_slice %arg6[%dma_start3A_462, %dma_start3A_464, %dma_start3A_465] : memref<4x128x128xf32, #tpu.memory_space<vmem>> -> memref<1x128x128xf32, #tpu.memory_space<vmem>>
        %dma_start3A_467 = tpu.memref_squeeze %dma_start3A_466 : memref<1x128x128xf32, #tpu.memory_space<vmem>> -> memref<128x128xf32, #tpu.memory_space<vmem>>
        %dma_start3A_468 = tpu.memref_slice %arg5[%select_n3A_443, %mul3A_461] : memref<8x1024xi32, #tpu.memory_space<vmem>> -> memref<1x128xi32, #tpu.memory_space<vmem>>
        %dma_start3A_469 = tpu.memref_squeeze %dma_start3A_468 : memref<1x128xi32, #tpu.memory_space<vmem>> -> memref<128xi32, #tpu.memory_space<vmem>>
        %dma_start3A_470 = arith.constant 0 : i32
        %dma_start3A_471 = arith.constant 0 : i32
        %dma_start3A_472 = tpu.memref_slice %arg7[%dma_start3A_470, %dma_start3A_471] : memref<4096x128xf32, #tpu.memory_space<vmem_shared>> -> memref<4096x128xf32, #tpu.memory_space<vmem_shared>>
        %dma_start3A_473 = tpu.memref_slice %arg8[%dma_start3A_463] : memref<4x!tpu.dma_semaphore, #tpu.memory_space<semaphore_mem>> -> memref<1x!tpu.dma_semaphore, #tpu.memory_space<semaphore_mem>>
        %dma_start3A_474 = tpu.memref_squeeze %dma_start3A_473 : memref<1x!tpu.dma_semaphore, #tpu.memory_space<semaphore_mem>> -> memref<!tpu.dma_semaphore, #tpu.memory_space<semaphore_mem>>
        tpu.enqueue_indirect_dma source(%dma_start3A_472 : memref<4096x128xf32, #tpu.memory_space<vmem_shared>>) target(%dma_start3A_467 : memref<128x128xf32, #tpu.memory_space<vmem>>) offsets(%dma_start3A_469 : memref<128xi32, #tpu.memory_space<vmem>>) semaphore(%dma_start3A_474 : memref<!tpu.dma_semaphore, #tpu.memory_space<semaphore_mem>>)
      } else {
      }
      %scan3A_415 = arith.constant 0 : i32
      scf.yield %scan3A_415 : i32
    }
    %scan3A_56 = arith.constant 16 : i32
    %add3A_57 = arith.constant 8064 : i32
    %add3A_58 = arith.addi %mul3A_6, %add3A_57 : i32
    %dma_wait3A = arith.constant 3 : i32
    %dma_wait3A_59 = arith.constant 3 : i32
    %dma_wait3A_60 = arith.constant 0 : i32
    %dma_wait3A_61 = arith.constant 0 : i32
    %dma_wait3A_62 = tpu.memref_slice %arg6[%dma_wait3A, %dma_wait3A_60, %dma_wait3A_61] : memref<4x128x128xf32, #tpu.memory_space<vmem>> -> memref<1x128x128xf32, #tpu.memory_space<vmem>>
    %dma_wait3A_63 = tpu.memref_squeeze %dma_wait3A_62 : memref<1x128x128xf32, #tpu.memory_space<vmem>> -> memref<128x128xf32, #tpu.memory_space<vmem>>
    %dma_wait3A_64 = arith.constant 0 : i32
    %dma_wait3A_65 = tpu.memref_slice %arg4[%add3A_58, %dma_wait3A_64] : memref<262144x128xf32, #tpu.memory_space<hbm>> -> memref<128x128xf32, #tpu.memory_space<hbm>>
    %dma_wait3A_66 = tpu.memref_slice %arg9[%dma_wait3A_59] : memref<4x!tpu.dma_semaphore, #tpu.memory_space<semaphore_mem>> -> memref<1x!tpu.dma_semaphore, #tpu.memory_space<semaphore_mem>>
    %dma_wait3A_67 = tpu.memref_squeeze %dma_wait3A_66 : memref<1x!tpu.dma_semaphore, #tpu.memory_space<semaphore_mem>> -> memref<!tpu.dma_semaphore, #tpu.memory_space<semaphore_mem>>
    %dma_wait3A_68 = arith.constant 0 : i32
    %dma_wait3A_69 = tpu.memref_slice %arg4[%add3A_58, %dma_wait3A_68] : memref<262144x128xf32, #tpu.memory_space<hbm>> -> memref<128x128xf32, #tpu.memory_space<hbm>>
    %dma_wait3A_70 = arith.constant 0 : i32
    %dma_wait3A_71 = arith.constant 0 : i32
    %dma_wait3A_72 = tpu.memref_slice %arg6[%dma_wait3A, %dma_wait3A_70, %dma_wait3A_71] : memref<4x128x128xf32, #tpu.memory_space<vmem>> -> memref<1x128x128xf32, #tpu.memory_space<vmem>>
    %dma_wait3A_73 = tpu.memref_squeeze %dma_wait3A_72 : memref<1x128x128xf32, #tpu.memory_space<vmem>> -> memref<128x128xf32, #tpu.memory_space<vmem>>
    tpu.wait_dma2 semaphore(%dma_wait3A_67 : memref<!tpu.dma_semaphore, #tpu.memory_space<semaphore_mem>>) src(%dma_wait3A_73 : memref<128x128xf32, #tpu.memory_space<vmem>>) dst(%dma_wait3A_69 : memref<128x128xf32, #tpu.memory_space<hbm>>)
    return
  }
}

module attributes {stable_mosaic.version = 14 : i64} {
  func.func @_prep_kernel(%arg0: memref<256x4xi32, #tpu.memory_space<vmem>>, %arg1: memref<256x4xi32, #tpu.memory_space<vmem>>, %arg2: memref<1x1024xi32, #tpu.memory_space<vmem>>, %arg3: memref<1x1024xi32, #tpu.memory_space<vmem>>, %arg4: memref<63x128xf32, #tpu.memory_space<vmem>>, %arg5: memref<63x128xf32, #tpu.memory_space<vmem>>, %arg6: memref<2xi32, #tpu.memory_space<smem>>, %arg7: memref<4096x128xf32, #tpu.memory_space<vmem>>, %arg8: memref<256x1024xi32, #tpu.memory_space<vmem>>) attributes {dimension_semantics = [], scalar_prefetch = 0 : i64, scratch_operands = 0 : i64, tpu.core_type = #tpu.core_type<tc>} {
    %broadcast_in_dim3A = arith.constant 0.000000e+00 : f32
    %broadcast_in_dim3A_0 = vector.broadcast %broadcast_in_dim3A : f32 to vector<1x128xf32>
    %get3A = arith.constant 0 : index
    %get3A_1 = arith.constant 0 : index
    %get3A_2 = vector.load %arg4[%get3A, %get3A_1] : memref<63x128xf32, #tpu.memory_space<vmem>>, vector<63x128xf32>
    %concatenate3A = tpu.concatenate %get3A_2, %broadcast_in_dim3A_0 in 0 : vector<63x128xf32>, vector<1x128xf32> -> vector<64x128xf32>
    %get3A_3 = arith.constant 0 : index
    %get3A_4 = arith.constant 0 : index
    %get3A_5 = vector.load %arg5[%get3A_3, %get3A_4] : memref<63x128xf32, #tpu.memory_space<vmem>>, vector<63x128xf32>
    %concatenate3A_6 = tpu.concatenate %get3A_5, %broadcast_in_dim3A_0 in 0 : vector<63x128xf32>, vector<1x128xf32> -> vector<64x128xf32>
    %broadcast_in_dim3A_7 = vector.shape_cast %concatenate3A : vector<64x128xf32> to vector<64x1x128xf32>
    %broadcast_in_dim3A_8 = vector.shape_cast %concatenate3A_6 : vector<64x128xf32> to vector<1x64x128xf32>
    %add3A = vector.broadcast %broadcast_in_dim3A_7 : vector<64x1x128xf32> to vector<64x64x128xf32>
    %add3A_9 = vector.broadcast %broadcast_in_dim3A_8 : vector<1x64x128xf32> to vector<64x64x128xf32>
    %add3A_10 = arith.addf %add3A, %add3A_9 : vector<64x64x128xf32>
    %reshape3A = vector.shape_cast %add3A_10 : vector<64x64x128xf32> to vector<4096x128xf32>
    %swap3A = arith.constant 0 : index
    %swap3A_11 = arith.constant 0 : index
    %swap3A_12 = vector.load %arg7[%swap3A, %swap3A_11] : memref<4096x128xf32, #tpu.memory_space<vmem>>, vector<4096x128xf32>
    tpu.vector_store %arg7[%swap3A, %swap3A_11], %reshape3A {strides = array<i32>} : memref<4096x128xf32, #tpu.memory_space<vmem>>, vector<4096x128xf32>,
    %iota3A = tpu.iota {dimensions = array<i32: 1>} : vector<256x1024xi32>
    %and3A = arith.constant 3 : i32
    %and3A_13 = vector.broadcast %and3A : i32 to vector<256x1024xi32>
    %and3A_14 = arith.andi %iota3A, %and3A_13 : vector<256x1024xi32>
    %get3A_15 = arith.constant 0 : index
    %get3A_16 = arith.constant 0 : index
    %get3A_17 = vector.load %arg0[%get3A_15, %get3A_16] : memref<256x4xi32, #tpu.memory_space<vmem>>, vector<256x1xi32>
    %broadcast_in_dim3A_18 = vector.shape_cast %get3A_17 : vector<256x1xi32> to vector<256x1xi32>
    %broadcast_in_dim3A_19 = vector.broadcast %broadcast_in_dim3A_18 : vector<256x1xi32> to vector<256x1024xi32>
    %eq3A = arith.constant 1 : i32
    %eq3A_20 = vector.broadcast %eq3A : i32 to vector<256x1024xi32>
    %eq3A_21 = arith.cmpi eq, %and3A_14, %eq3A_20 : vector<256x1024xi32>
    %get3A_22 = arith.constant 0 : index
    %get3A_23 = arith.constant 1 : index
    %get3A_24 = vector.load %arg0[%get3A_22, %get3A_23] : memref<256x4xi32, #tpu.memory_space<vmem>>, vector<256x1xi32>
    %broadcast_in_dim3A_25 = vector.shape_cast %get3A_24 : vector<256x1xi32> to vector<256x1xi32>
    %broadcast_in_dim3A_26 = vector.broadcast %broadcast_in_dim3A_25 : vector<256x1xi32> to vector<256x1024xi32>
    %select_n3A = arith.select %eq3A_21, %broadcast_in_dim3A_26, %broadcast_in_dim3A_19 : vector<256x1024xi1>, vector<256x1024xi32>
    %eq3A_27 = arith.constant 2 : i32
    %eq3A_28 = vector.broadcast %eq3A_27 : i32 to vector<256x1024xi32>
    %eq3A_29 = arith.cmpi eq, %and3A_14, %eq3A_28 : vector<256x1024xi32>
    %get3A_30 = arith.constant 0 : index
    %get3A_31 = arith.constant 2 : index
    %get3A_32 = vector.load %arg0[%get3A_30, %get3A_31] : memref<256x4xi32, #tpu.memory_space<vmem>>, vector<256x1xi32>
    %broadcast_in_dim3A_33 = vector.shape_cast %get3A_32 : vector<256x1xi32> to vector<256x1xi32>
    %broadcast_in_dim3A_34 = vector.broadcast %broadcast_in_dim3A_33 : vector<256x1xi32> to vector<256x1024xi32>
    %select_n3A_35 = arith.select %eq3A_29, %broadcast_in_dim3A_34, %select_n3A : vector<256x1024xi1>, vector<256x1024xi32>
    %eq3A_36 = arith.constant 3 : i32
    %eq3A_37 = vector.broadcast %eq3A_36 : i32 to vector<256x1024xi32>
    %eq3A_38 = arith.cmpi eq, %and3A_14, %eq3A_37 : vector<256x1024xi32>
    %get3A_39 = arith.constant 0 : index
    %get3A_40 = arith.constant 3 : index
    %get3A_41 = vector.load %arg0[%get3A_39, %get3A_40] : memref<256x4xi32, #tpu.memory_space<vmem>>, vector<256x1xi32>
    %broadcast_in_dim3A_42 = vector.shape_cast %get3A_41 : vector<256x1xi32> to vector<256x1xi32>
    %broadcast_in_dim3A_43 = vector.broadcast %broadcast_in_dim3A_42 : vector<256x1xi32> to vector<256x1024xi32>
    %select_n3A_44 = arith.select %eq3A_38, %broadcast_in_dim3A_43, %select_n3A_35 : vector<256x1024xi1>, vector<256x1024xi32>
    %get3A_45 = arith.constant 0 : index
    %get3A_46 = arith.constant 0 : index
    %get3A_47 = vector.load %arg2[%get3A_45, %get3A_46] : memref<1x1024xi32, #tpu.memory_space<vmem>>, vector<1x1024xi32>
    %sub3A = vector.broadcast %get3A_47 : vector<1x1024xi32> to vector<256x1024xi32>
    %sub3A_48 = arith.subi %select_n3A_44, %sub3A : vector<256x1024xi32>
    %get3A_49 = arith.constant 0 : index
    %get3A_50 = memref.load %arg6[%get3A_49] : memref<2xi32, #tpu.memory_space<smem>>
    %add3A_51 = vector.broadcast %get3A_50 : i32 to vector<256x1024xi32>
    %add3A_52 = arith.addi %sub3A_48, %add3A_51 : vector<256x1024xi32>
    %get3A_53 = arith.constant 0 : index
    %get3A_54 = arith.constant 0 : index
    %get3A_55 = vector.load %arg1[%get3A_53, %get3A_54] : memref<256x4xi32, #tpu.memory_space<vmem>>, vector<256x1xi32>
    %broadcast_in_dim3A_56 = vector.shape_cast %get3A_55 : vector<256x1xi32> to vector<256x1xi32>
    %broadcast_in_dim3A_57 = vector.broadcast %broadcast_in_dim3A_56 : vector<256x1xi32> to vector<256x1024xi32>
    %eq3A_58 = arith.constant 1 : i32
    %eq3A_59 = vector.broadcast %eq3A_58 : i32 to vector<256x1024xi32>
    %eq3A_60 = arith.cmpi eq, %and3A_14, %eq3A_59 : vector<256x1024xi32>
    %get3A_61 = arith.constant 0 : index
    %get3A_62 = arith.constant 1 : index
    %get3A_63 = vector.load %arg1[%get3A_61, %get3A_62] : memref<256x4xi32, #tpu.memory_space<vmem>>, vector<256x1xi32>
    %broadcast_in_dim3A_64 = vector.shape_cast %get3A_63 : vector<256x1xi32> to vector<256x1xi32>
    %broadcast_in_dim3A_65 = vector.broadcast %broadcast_in_dim3A_64 : vector<256x1xi32> to vector<256x1024xi32>
    %select_n3A_66 = arith.select %eq3A_60, %broadcast_in_dim3A_65, %broadcast_in_dim3A_57 : vector<256x1024xi1>, vector<256x1024xi32>
    %eq3A_67 = arith.constant 2 : i32
    %eq3A_68 = vector.broadcast %eq3A_67 : i32 to vector<256x1024xi32>
    %eq3A_69 = arith.cmpi eq, %and3A_14, %eq3A_68 : vector<256x1024xi32>
    %get3A_70 = arith.constant 0 : index
    %get3A_71 = arith.constant 2 : index
    %get3A_72 = vector.load %arg1[%get3A_70, %get3A_71] : memref<256x4xi32, #tpu.memory_space<vmem>>, vector<256x1xi32>
    %broadcast_in_dim3A_73 = vector.shape_cast %get3A_72 : vector<256x1xi32> to vector<256x1xi32>
    %broadcast_in_dim3A_74 = vector.broadcast %broadcast_in_dim3A_73 : vector<256x1xi32> to vector<256x1024xi32>
    %select_n3A_75 = arith.select %eq3A_69, %broadcast_in_dim3A_74, %select_n3A_66 : vector<256x1024xi1>, vector<256x1024xi32>
    %eq3A_76 = arith.constant 3 : i32
    %eq3A_77 = vector.broadcast %eq3A_76 : i32 to vector<256x1024xi32>
    %eq3A_78 = arith.cmpi eq, %and3A_14, %eq3A_77 : vector<256x1024xi32>
    %get3A_79 = arith.constant 0 : index
    %get3A_80 = arith.constant 3 : index
    %get3A_81 = vector.load %arg1[%get3A_79, %get3A_80] : memref<256x4xi32, #tpu.memory_space<vmem>>, vector<256x1xi32>
    %broadcast_in_dim3A_82 = vector.shape_cast %get3A_81 : vector<256x1xi32> to vector<256x1xi32>
    %broadcast_in_dim3A_83 = vector.broadcast %broadcast_in_dim3A_82 : vector<256x1xi32> to vector<256x1024xi32>
    %select_n3A_84 = arith.select %eq3A_78, %broadcast_in_dim3A_83, %select_n3A_75 : vector<256x1024xi1>, vector<256x1024xi32>
    %get3A_85 = arith.constant 0 : index
    %get3A_86 = arith.constant 0 : index
    %get3A_87 = vector.load %arg3[%get3A_85, %get3A_86] : memref<1x1024xi32, #tpu.memory_space<vmem>>, vector<1x1024xi32>
    %sub3A_88 = vector.broadcast %get3A_87 : vector<1x1024xi32> to vector<256x1024xi32>
    %sub3A_89 = arith.subi %select_n3A_84, %sub3A_88 : vector<256x1024xi32>
    %get3A_90 = arith.constant 1 : index
    %get3A_91 = memref.load %arg6[%get3A_90] : memref<2xi32, #tpu.memory_space<smem>>
    %add3A_92 = vector.broadcast %get3A_91 : i32 to vector<256x1024xi32>
    %add3A_93 = arith.addi %sub3A_89, %add3A_92 : vector<256x1024xi32>
    %max3A = arith.constant 0 : i32
    %max3A_94 = vector.broadcast %max3A : i32 to vector<256x1024xi32>
    %max3A_95 = arith.maxsi %add3A_52, %max3A_94 : vector<256x1024xi32>
    %mul3A = arith.constant 64 : i32
    %mul3A_96 = vector.broadcast %mul3A : i32 to vector<256x1024xi32>
    %mul3A_97 = arith.muli %max3A_95, %mul3A_96 : vector<256x1024xi32>
    %max3A_98 = arith.constant 0 : i32
    %max3A_99 = vector.broadcast %max3A_98 : i32 to vector<256x1024xi32>
    %max3A_100 = arith.maxsi %add3A_93, %max3A_99 : vector<256x1024xi32>
    %add3A_101 = arith.addi %mul3A_97, %max3A_100 : vector<256x1024xi32>
    %swap3A_102 = arith.constant 0 : index
    %swap3A_103 = arith.constant 0 : index
    %swap3A_104 = vector.load %arg8[%swap3A_102, %swap3A_103] : memref<256x1024xi32, #tpu.memory_space<vmem>>, vector<256x1024xi32>
    tpu.vector_store %arg8[%swap3A_102, %swap3A_103], %add3A_101 {strides = array<i32>} : memref<256x1024xi32, #tpu.memory_space<vmem>>, vector<256x1024xi32>,
    return
  }
}

module attributes {stable_mosaic.version = 14 : i64} {
  func.func @_cm_kernel(%arg0: memref<256x4xi32, #tpu.memory_space<vmem>>, %arg1: memref<256x4xi32, #tpu.memory_space<vmem>>, %arg2: memref<1x1024xi32, #tpu.memory_space<vmem>>, %arg3: memref<1x1024xi32, #tpu.memory_space<vmem>>, %arg4: memref<2xi32, #tpu.memory_space<smem>>, %arg5: memref<256x1024xi32, #tpu.memory_space<vmem>>) attributes {dimension_semantics = [], scalar_prefetch = 0 : i64, scratch_operands = 0 : i64, tpu.core_type = #tpu.core_type<tc>} {
    %iota3A = tpu.iota {dimensions = array<i32: 1>} : vector<256x1024xi32>
    %and3A = arith.constant 3 : i32
    %and3A_0 = vector.broadcast %and3A : i32 to vector<256x1024xi32>
    %and3A_1 = arith.andi %iota3A, %and3A_0 : vector<256x1024xi32>
    %get3A = arith.constant 0 : index
    %get3A_2 = arith.constant 0 : index
    %get3A_3 = vector.load %arg0[%get3A, %get3A_2] : memref<256x4xi32, #tpu.memory_space<vmem>>, vector<256x1xi32>
    %broadcast_in_dim3A = vector.shape_cast %get3A_3 : vector<256x1xi32> to vector<256x1xi32>
    %broadcast_in_dim3A_4 = vector.broadcast %broadcast_in_dim3A : vector<256x1xi32> to vector<256x1024xi32>
    %eq3A = arith.constant 1 : i32
    %eq3A_5 = vector.broadcast %eq3A : i32 to vector<256x1024xi32>
    %eq3A_6 = arith.cmpi eq, %and3A_1, %eq3A_5 : vector<256x1024xi32>
    %get3A_7 = arith.constant 0 : index
    %get3A_8 = arith.constant 1 : index
    %get3A_9 = vector.load %arg0[%get3A_7, %get3A_8] : memref<256x4xi32, #tpu.memory_space<vmem>>, vector<256x1xi32>
    %broadcast_in_dim3A_10 = vector.shape_cast %get3A_9 : vector<256x1xi32> to vector<256x1xi32>
    %broadcast_in_dim3A_11 = vector.broadcast %broadcast_in_dim3A_10 : vector<256x1xi32> to vector<256x1024xi32>
    %select_n3A = arith.select %eq3A_6, %broadcast_in_dim3A_11, %broadcast_in_dim3A_4 : vector<256x1024xi1>, vector<256x1024xi32>
    %eq3A_12 = arith.constant 2 : i32
    %eq3A_13 = vector.broadcast %eq3A_12 : i32 to vector<256x1024xi32>
    %eq3A_14 = arith.cmpi eq, %and3A_1, %eq3A_13 : vector<256x1024xi32>
    %get3A_15 = arith.constant 0 : index
    %get3A_16 = arith.constant 2 : index
    %get3A_17 = vector.load %arg0[%get3A_15, %get3A_16] : memref<256x4xi32, #tpu.memory_space<vmem>>, vector<256x1xi32>
    %broadcast_in_dim3A_18 = vector.shape_cast %get3A_17 : vector<256x1xi32> to vector<256x1xi32>
    %broadcast_in_dim3A_19 = vector.broadcast %broadcast_in_dim3A_18 : vector<256x1xi32> to vector<256x1024xi32>
    %select_n3A_20 = arith.select %eq3A_14, %broadcast_in_dim3A_19, %select_n3A : vector<256x1024xi1>, vector<256x1024xi32>
    %eq3A_21 = arith.constant 3 : i32
    %eq3A_22 = vector.broadcast %eq3A_21 : i32 to vector<256x1024xi32>
    %eq3A_23 = arith.cmpi eq, %and3A_1, %eq3A_22 : vector<256x1024xi32>
    %get3A_24 = arith.constant 0 : index
    %get3A_25 = arith.constant 3 : index
    %get3A_26 = vector.load %arg0[%get3A_24, %get3A_25] : memref<256x4xi32, #tpu.memory_space<vmem>>, vector<256x1xi32>
    %broadcast_in_dim3A_27 = vector.shape_cast %get3A_26 : vector<256x1xi32> to vector<256x1xi32>
    %broadcast_in_dim3A_28 = vector.broadcast %broadcast_in_dim3A_27 : vector<256x1xi32> to vector<256x1024xi32>
    %select_n3A_29 = arith.select %eq3A_23, %broadcast_in_dim3A_28, %select_n3A_20 : vector<256x1024xi1>, vector<256x1024xi32>
    %get3A_30 = arith.constant 0 : index
    %get3A_31 = arith.constant 0 : index
    %get3A_32 = vector.load %arg2[%get3A_30, %get3A_31] : memref<1x1024xi32, #tpu.memory_space<vmem>>, vector<1x1024xi32>
    %sub3A = vector.broadcast %get3A_32 : vector<1x1024xi32> to vector<256x1024xi32>
    %sub3A_33 = arith.subi %select_n3A_29, %sub3A : vector<256x1024xi32>
    %get3A_34 = arith.constant 0 : index
    %get3A_35 = memref.load %arg4[%get3A_34] : memref<2xi32, #tpu.memory_space<smem>>
    %add3A = vector.broadcast %get3A_35 : i32 to vector<256x1024xi32>
    %add3A_36 = arith.addi %sub3A_33, %add3A : vector<256x1024xi32>
    %get3A_37 = arith.constant 0 : index
    %get3A_38 = arith.constant 0 : index
    %get3A_39 = vector.load %arg1[%get3A_37, %get3A_38] : memref<256x4xi32, #tpu.memory_space<vmem>>, vector<256x1xi32>
    %broadcast_in_dim3A_40 = vector.shape_cast %get3A_39 : vector<256x1xi32> to vector<256x1xi32>
    %broadcast_in_dim3A_41 = vector.broadcast %broadcast_in_dim3A_40 : vector<256x1xi32> to vector<256x1024xi32>
    %eq3A_42 = arith.constant 1 : i32
    %eq3A_43 = vector.broadcast %eq3A_42 : i32 to vector<256x1024xi32>
    %eq3A_44 = arith.cmpi eq, %and3A_1, %eq3A_43 : vector<256x1024xi32>
    %get3A_45 = arith.constant 0 : index
    %get3A_46 = arith.constant 1 : index
    %get3A_47 = vector.load %arg1[%get3A_45, %get3A_46] : memref<256x4xi32, #tpu.memory_space<vmem>>, vector<256x1xi32>
    %broadcast_in_dim3A_48 = vector.shape_cast %get3A_47 : vector<256x1xi32> to vector<256x1xi32>
    %broadcast_in_dim3A_49 = vector.broadcast %broadcast_in_dim3A_48 : vector<256x1xi32> to vector<256x1024xi32>
    %select_n3A_50 = arith.select %eq3A_44, %broadcast_in_dim3A_49, %broadcast_in_dim3A_41 : vector<256x1024xi1>, vector<256x1024xi32>
    %eq3A_51 = arith.constant 2 : i32
    %eq3A_52 = vector.broadcast %eq3A_51 : i32 to vector<256x1024xi32>
    %eq3A_53 = arith.cmpi eq, %and3A_1, %eq3A_52 : vector<256x1024xi32>
    %get3A_54 = arith.constant 0 : index
    %get3A_55 = arith.constant 2 : index
    %get3A_56 = vector.load %arg1[%get3A_54, %get3A_55] : memref<256x4xi32, #tpu.memory_space<vmem>>, vector<256x1xi32>
    %broadcast_in_dim3A_57 = vector.shape_cast %get3A_56 : vector<256x1xi32> to vector<256x1xi32>
    %broadcast_in_dim3A_58 = vector.broadcast %broadcast_in_dim3A_57 : vector<256x1xi32> to vector<256x1024xi32>
    %select_n3A_59 = arith.select %eq3A_53, %broadcast_in_dim3A_58, %select_n3A_50 : vector<256x1024xi1>, vector<256x1024xi32>
    %eq3A_60 = arith.constant 3 : i32
    %eq3A_61 = vector.broadcast %eq3A_60 : i32 to vector<256x1024xi32>
    %eq3A_62 = arith.cmpi eq, %and3A_1, %eq3A_61 : vector<256x1024xi32>
    %get3A_63 = arith.constant 0 : index
    %get3A_64 = arith.constant 3 : index
    %get3A_65 = vector.load %arg1[%get3A_63, %get3A_64] : memref<256x4xi32, #tpu.memory_space<vmem>>, vector<256x1xi32>
    %broadcast_in_dim3A_66 = vector.shape_cast %get3A_65 : vector<256x1xi32> to vector<256x1xi32>
    %broadcast_in_dim3A_67 = vector.broadcast %broadcast_in_dim3A_66 : vector<256x1xi32> to vector<256x1024xi32>
    %select_n3A_68 = arith.select %eq3A_62, %broadcast_in_dim3A_67, %select_n3A_59 : vector<256x1024xi1>, vector<256x1024xi32>
    %get3A_69 = arith.constant 0 : index
    %get3A_70 = arith.constant 0 : index
    %get3A_71 = vector.load %arg3[%get3A_69, %get3A_70] : memref<1x1024xi32, #tpu.memory_space<vmem>>, vector<1x1024xi32>
    %sub3A_72 = vector.broadcast %get3A_71 : vector<1x1024xi32> to vector<256x1024xi32>
    %sub3A_73 = arith.subi %select_n3A_68, %sub3A_72 : vector<256x1024xi32>
    %get3A_74 = arith.constant 1 : index
    %get3A_75 = memref.load %arg4[%get3A_74] : memref<2xi32, #tpu.memory_space<smem>>
    %add3A_76 = vector.broadcast %get3A_75 : i32 to vector<256x1024xi32>
    %add3A_77 = arith.addi %sub3A_73, %add3A_76 : vector<256x1024xi32>
    %lt3A = arith.constant 0 : i32
    %lt3A_78 = vector.broadcast %lt3A : i32 to vector<256x1024xi32>
    %lt3A_79 = arith.cmpi slt, %add3A_36, %lt3A_78 : vector<256x1024xi32>
    %lt3A_80 = arith.constant 0 : i32
    %lt3A_81 = vector.broadcast %lt3A_80 : i32 to vector<256x1024xi32>
    %lt3A_82 = arith.cmpi slt, %add3A_77, %lt3A_81 : vector<256x1024xi32>
    %or3A = arith.ori %lt3A_79, %lt3A_82 : vector<256x1024xi1>
    %swap3A = arith.constant 0 : index
    %swap3A_83 = arith.constant 0 : index
    %swap3A_84 = vector.load %arg5[%swap3A, %swap3A_83] : memref<256x1024xi32, #tpu.memory_space<vmem>>, vector<256x1024xi32>
    %swap3A_85 = arith.extui %or3A : vector<256x1024xi1> to vector<256x1024xi32>
    %swap3A_86 = arith.constant dense<0> : vector<256x1024xi32>
    %swap3A_87 = arith.cmpi ne, %swap3A_84, %swap3A_86 : vector<256x1024xi32>
    tpu.vector_store %arg5[%swap3A, %swap3A_83], %swap3A_85 {strides = array<i32>} : memref<256x1024xi32, #tpu.memory_space<vmem>>, vector<256x1024xi32>,
    return
  }
}

</mosaic_0001>

<sc_bundles>
// kernel: kernel.5.cloned.1.call-start
scs
__scs_entry_jumppad:
0x0: {  	(pc) =	sbr.rel $0x88, $3  }
0x1: {  	(tag) =	ssettag $0x0;
	lr =	simm.s32 $0x1  }
0x2: {  	[smem:$0x3F9D] =	sst lr;
	_ =	strace $0xD0000000  }
0x3: {  	_ = 	snop  }
0x4: {  	_ = 	snop  }
0x5: {  	_ = 	snop  }
0x6: {  	_ = 	snop  }
0x7: {  	_ = 	snop  }
__scs_overlays_trampoline_lowered:
0x8: {  	[smem:$0x3FAC] =	sst s0  }
0x9: {  	[smem:$0x3FAD] =	sst s1  }
0xa: {  	[smem:$0x3FAE] =	sst s2  }
0xb: {  	[smem:$0x3FAF] =	sst s3  }
0xc: {  	[smem:$0x3FB0] =	sst s4  }
0xd: {  	[smem:$0x3FB1] =	sst s5  }
0xe: {  	[smem:$0x3FB2] =	sst s6  }
0xf: {  	[smem:$0x3FB3] =	sst s7  }
0x10: {  	[smem:$0x3FB4] =	sst s8  }
0x11: {  	[smem:$0x3FB5] =	sst s9;
	s0 =	simm.s32 @!p0 $0x0  }
0x12: {  	s1 =	sld [smem:$0x3F9B];
	s0 =	simm.s32 @p0 $0x1  }
0x13: {  	[smem:$0x3FB6] =	sst s0;
	s0 =	simm.s32 @!p1 $0x0  }
0x14: {  	s2 =	sld [smem:$0x3F9A];
	s0 =	simm.s32 @p1 $0x1  }
0x15: {  	[smem:$0x3FB7] =	sst s0;
	s0 =	simm.s32 @!p2 $0x0  }
0x16: {  	s3 =	sld [smem:$0x3FDB];
	s0 =	simm.s32 @p2 $0x1  }
0x17: {  	s4 =	simm.s32 $0x1BF5;
	[smem:$0x3FB9] =	sst s0  }
0x18: {  	s0 =	sld [smem:$0x3F9C];
	_ =	swait.ge [sflag:s4], $0x0  }
0x19: {  	s7 =	sld [smem:$0x3F9D]  }
0x1a: {  	s8 =	sadd.s32 $0xFFFFE003, lr  }
0x1b: {  	s9 =	sadd.s32 $0xFFFFFEF7, lr;
	s5 =	simm.s32 $0xFFFFFFFF;
	p2 =	slt.u32 s8, $0xFFFFF086  }
0x1c: {  	p1 =	slt.u32 s9, $0xF7A;
	s5 =	simm.s32 @!p2 $0x0  }
0x1d: {  	s5 =	simm.s32 @p1 $0x1;
	p0 =	seq.s32 s7, s2  }
0x1e: {  	s7 =	smul.u32 @!p0 $0xF7A, s2;
	p2 =	seq.s32 @!p0 s5, $0x0  }
0x1f: {  	s9 =	smul.u32 $0xF7A, s1;
	s8 =	simm.s32 @!p0 $0x1BF5;
	p2 =	por !p2, p0  }
0x20: {  	[sflag:s8] =	ssyncset.s32 @!p0 $0xFFFFF086;
	s6 =	sadd.s32 @!p0 s3, s7;
	s7 =	simm.s32 @!p0 $0x108  }
0x21: {  	s3 =	sadd.s32 s3, s9;
	s6 =	sadd.s32 @!p0 $0x88, s6;
	s7 =	simm.s32 @p2 $0x1082  }
0x22: {  	[simem:s7], [sflag:s8] =	dma.local @!p0 [hbm:s6], $0xF7A  }
0x23: {  	s9 =	sor.u32 $0xD0000000, s2;
	s6 =	simm.s32 $0x108;
	_ =	swait.ge @!p0 [sflag:s8], $0x0  }
0x24: {  	s3 =	sadd.s32 $0x88, s3;
	s6 =	simm.s32 @!p1 $0x1082;
	[sflag:s4] =	ssyncset.s32 $0xFFFFF086  }
0x25: {  	[simem:s6], [sflag:s4] =	dma.local [hbm:s3], $0xF7A  }
0x26: {  	[smem:$0x3F9D] =	sst s1;
	(tag) =	ssettag s2;
	_ =	strace s9  }
0x27: {  	s1 =	sld [smem:$0x3FAD]  }
0x28: {  	s2 =	sld [smem:$0x3FAE]  }
0x29: {  	s4 =	sld [smem:$0x3FB0]  }
0x2a: {  	p0 =	seq.s32 s5, $0x0;
	s5 =	sld [smem:$0x3FB1]  }
0x2b: {  	s6 =	sld [smem:$0x3FB2]  }
0x2c: {  	s7 =	sld [smem:$0x3FB3]  }
0x2d: {  	s3 =	simm.s32 $0x108;
	s8 =	sld [smem:$0x3FB4]  }
0x2e: {  	s3 =	simm.s32 @!p0 $0x1082;
	s9 =	sld [smem:$0x3FB5]  }
0x2f: {  	lr =	sadd.s32 s0, s3;
	s0 =	sld [smem:$0x3FAC]  }
0x30: {  	s3 =	sld [smem:$0x3FAF]  }
0x31: {  	[smem:$0x3FB8] =	sst s10  }
0x32: {  	s10 =	sld [smem:$0x3FB6];
	_ =	sdelay $0x3  }
0x33: {  	p0 =	seq.s32 s10, $0x1;
	s10 =	sld [smem:$0x3FB8];
	_ =	sdelay $0x3  }
0x34: {  	[smem:$0x3FB8] =	sst s10  }
0x35: {  	s10 =	sld [smem:$0x3FB7];
	_ =	sdelay $0x3  }
0x36: {  	p1 =	seq.s32 s10, $0x1;
	s10 =	sld [smem:$0x3FB8];
	_ =	sdelay $0x3  }
0x37: {  	[smem:$0x3FB8] =	sst s10  }
0x38: {  	s10 =	sld [smem:$0x3FB9]  }
0x39: {  	_ = 	snop;
	(pc) =	sbr.ind lr, $3  }
0x3a: {  	_ = 	snop  }
0x3b: {  	_ = 	snop  }
0x3c: {  	p2 =	seq.s32 s10, $0x1;
	s10 =	sld [smem:$0x3FB8]  }
0x3d: {  	_ =	shalt  }
0x3e: {  	_ =	shalt  }
0x3f: {  	_ =	shalt  }
0x40: {  	_ =	shalt  }
0x41: {  	_ =	shalt  }
0x42: {  	_ =	shalt  }
0x43: {  	_ =	shalt  }
0x44: {  	_ =	shalt  }
0x45: {  	_ =	shalt  }
0x46: {  	_ =	shalt  }
0x47: {  	_ =	shalt  }
0x48: {  	_ =	shalt  }
0x49: {  	_ =	shalt  }
0x4a: {  	_ =	shalt  }
0x4b: {  	_ =	shalt  }
0x4c: {  	_ =	shalt  }
0x4d: {  	_ =	shalt  }
0x4e: {  	_ =	shalt  }
0x4f: {  	_ =	shalt  }
0x50: {  	_ =	shalt  }
0x51: {  	_ =	shalt  }
0x52: {  	_ =	shalt  }
0x53: {  	_ =	shalt  }
0x54: {  	_ =	shalt  }
0x55: {  	_ =	shalt  }
0x56: {  	_ =	shalt  }
0x57: {  	_ =	shalt  }
0x58: {  	_ =	shalt  }
0x59: {  	_ =	shalt  }
0x5a: {  	_ =	shalt  }
0x5b: {  	_ =	shalt  }
0x5c: {  	_ =	shalt  }
0x5d: {  	_ =	shalt  }
0x5e: {  	_ =	shalt  }
0x5f: {  	_ =	shalt  }
0x60: {  	_ =	shalt  }
0x61: {  	_ =	shalt  }
0x62: {  	_ =	shalt  }
0x63: {  	_ =	shalt  }
0x64: {  	_ =	shalt  }
0x65: {  	_ =	shalt  }
0x66: {  	_ =	shalt  }
0x67: {  	_ =	shalt  }
0x68: {  	_ =	shalt  }
0x69: {  	_ =	shalt  }
0x6a: {  	_ =	shalt  }
0x6b: {  	_ =	shalt  }
0x6c: {  	_ =	shalt  }
0x6d: {  	_ =	shalt  }
0x6e: {  	_ =	shalt  }
0x6f: {  	_ =	shalt  }
0x70: {  	_ =	shalt  }
0x71: {  	_ =	shalt  }
0x72: {  	_ =	shalt  }
0x73: {  	_ =	shalt  }
0x74: {  	_ =	shalt  }
0x75: {  	_ =	shalt  }
0x76: {  	_ =	shalt  }
0x77: {  	_ =	shalt  }
0x78: {  	_ =	shalt  }
0x79: {  	_ =	shalt  }
0x7a: {  	_ =	shalt  }
0x7b: {  	_ =	shalt  }
0x7c: {  	_ =	shalt  }
0x7d: {  	_ =	shalt  }
0x7e: {  	_ =	shalt  }
0x7f: {  	_ =	shalt  }
0x80: {  	_ =	shalt  }
0x81: {  	_ =	shalt  }
0x82: {  	_ =	shalt  }
0x83: {  	_ =	shalt  }
0x84: {  	_ =	shalt  }
0x85: {  	_ =	shalt  }
0x86: {  	_ =	shalt  }
0x87: {  	_ =	shalt  }
.Lfunc_end0:
.L_simem_size_0:
called_computation_lowered:
.L_overlay_start_0:
0x88: {  	s2 =	sld [smem:$0x3FD9]  }
0x89: {  	s3 =	sld [smem:$0x3FFE];
	_ =	sdelay $0x1  }
0x8a: {  	s1 =	srdreg.scid  }
0x8b: {  	s0 =	sand.u32 $0x1, s1  }
0x8c: {  	s14 =	sshll.u32 s0, $0xA;
	s2 =	sadd.s32 s3, s2  }
0x8d: {  	s2 =	sadd.s32 s2, s14  }
0x8e: {  	[smem:$0x3FC4] =	sst s2  }
0x8f: {  	_ = 	snop  }
0x90: {  	s2 =	sld [smem:$0x3FD0];
	_ =	sdelay $0x2  }
0x91: {  	s15 =	simm.s32 $0xA;
	s4 =	simm.s32 $0x10  }
0x92: {  	[smem:s4], [sflag:s15] =	dma.local [hbm:s2], $0x1  }
0x93: {  	_ =	swait.eq [sflag:s15], $0x1  }
0x94: {  	[sflag:s15] =	ssyncset.done $0x0  }
0x95: {  	[sflag:s15] =	ssyncadd.s32 $0xFFFFFFFF  }
0x96: {  	s16 =	sld [smem:$0x10];
	(tm) =	ssettm $0x1  }
0x97: {  	s17 =	sld [smem:$0x3FFB];
	_ =	sdelay $0x3  }
0x98: {  	_ =	strace s17  }
0x99: {  	s3 =	sld [smem:$0x3FFC];
	_ =	sdelay $0x3  }
0x9a: {  	_ =	strace s3  }
0x9b: {  	s3 =	sld [smem:$0x3FFD];
	_ =	sdelay $0x3  }
0x9c: {  	_ =	strace s3  }
0x9d: {  	_ =	strace $0x8FFFFFFF  }
0x9e: {  	s18 =	sld [smem:$0x3FDB];
	_ =	sdelay $0x1  }
0x9f: {  	s19 =	simm.s32 $_scs_section_size  }
0xa0: {  	s5 =	simm.s32 $_size__tile_overlayer_lowered;
	s6 =	simm.s32 $_tile_overlayer_lowered  }
0xa1: {  	s22 =	simm.s32 $0x1BFF;
	s21 =	sshll.u32 s6, $0x1;
	s3 =	sadd.s32 s19, s18  }
0xa2: {  	s7 =	simm.s32 $0x0;
	s20 =	sshll.u32 s5, $0x1;
	s5 =	sadd.s32 s21, s3  }
0xa3: {  	[timem:s7], [sflag:s22] =	dma.local [hbm:s5], s20  }
0xa4: {  	_ =	swait.ge [sflag:s22], s20  }
0xa5: {  	s4 =	ssub.s32 $0x0, s20;
	[sflag:s22] =	ssyncset.done $0x0  }
0xa6: {  	[sflag:s22] =	ssyncadd.s32 s4;
	_ =	sdelay $0x1  }
0xa7: {  	s23 =	simm.s32 $0x1B8B  }
0xa8: {  	_ =	swait.ge [sflag:s23], $0x1  }
0xa9: {  	[sflag:s23] =	ssyncset.done $0x0  }
0xaa: {  	s25 =	simm.s32 $0x1B8E;
	s24 =	sld [smem:$0x3FFE];
	[sflag:s23] =	ssyncadd.s32 $0xFFFFFFFF  }
0xab: {  	s26 =	simm.s32 $execute0_lowered;
	[smem:$0x3FD2] =	sst s25  }
0xac: {  	s5 =	sshll.u32 s26, $0x1;
	_ =	strace $0x80000046;
	[dreg:$0x1] =	wrdreg $0xFFFFFFFF  }
0xad: {  	s28 =	simm.s32 $_size_execute0_lowered;
	s3 =	sadd.s32 s3, s5;
	[dreg:$0x0] =	wrdreg $0x0  }
0xae: {  	s5 =	sshll.u32 s28, $0x1;
	[dreg:$0x2] =	wrdreg s3  }
0xaf: {  	[dreg:$0x3] =	wrdreg s5  }
0xb0: {  	[dreg:$0x4] =	wrdreg $0xC0  }
0xb1: {  	_ =	task [dreg:s7], $0x5FFFF  }
0xb2: {  	[dreg:$0x1] =	wrdreg $0xFFFFFFFF  }
0xb3: {  	[dreg:$0x0] =	wrdreg $0x60  }
0xb4: {  	[dreg:$0x2] =	wrdreg s24  }
0xb5: {  	[dreg:$0x3] =	wrdreg s16  }
0xb6: {  	[dreg:$0x4] =	wrdreg $0x120000  }
0xb7: {  	[dreg:$0x5] =	wrdreg $0x9  }
0xb8: {  	_ =	task.clear_ibuf [dreg:s7], $0x6FFFF;
	_ =	strace $0x90000046  }
0xb9: {  	s29 =	simm.s32 $0x9;
	_ =	strace $0x80000048  }
0xba: {  	_ =	swait.ge [sflag:s29], $0x1  }
0xbb: {  	[sflag:s29] =	ssyncadd.s32 $0xFFFFFFFF  }
0xbc: {  	_ =	strace $0x90000048  }
0xbd: {  	_ =	sfence  }
0xbe: {  	s30 =	sld [smem:$0x0];
	_ =	sdelay $0x2  }
0xbf: {  	s31 =	sshll.u32 s1, $0xD;
	s1 =	sshrl.u32 s1, $0x2  }
0xc0: {  	s3 =	sand.u32 $0x4000, s31;
	s1 =	sadd.s32 s1, s30  }
0xc1: {  	s0 =	sor.u32 s3, s0;
	s1 =	sshll.u32 s1, $0x11  }
0xc2: {  	s0 =	sor.u32 s1, s0  }
0xc3: {  	s0 =	sadd.s32 $0x8F2B, s0  }
0xc4: {  	[sflag:s0] =	ssyncadd.remote.s32 $0x1  }
0xc5: {  	_ =	sfence.sel $0xFFFF  }
0xc6: {  	[dreg:$0x0] =	wrdreg $0xFFFFFFFF;
	(pc) =	sbr.abs _section_cstart, $3  }
0xc7: {  	[dreg:$0x1] =	wrdreg $0xFFFFFFFF  }
0xc8: {  	_ =	task.clear_ibuf [dreg:s7], $0x2FFFF;
	_ =	strace $0x9FFFFFFF  }
0xc9: {  	(tm) =	ssettm $0x7FFFFFFF  }
tec
execute0_lowered:
.L_overlay_start_1:
0x0: {  	(tag) =	ssettag $0x1  }
0x1: {  	s4 =	rddreg [dreg:$0x0]  }
0x2: {  	s5 =	rddreg [dreg:$0x1]  }
0x3: {  	s1 =	rddreg [dreg:$0x2]  }
0x4: {  	s0 =	rddreg [dreg:$0x3];
	s3 =	srdreg.scid;
	s2 =	simm.s32 $0x0  }
0x5: {  	s7 =	stileid.u32;
	s11 =	simm.s32 $0x400;
	s12 =	simm.s32 $0x6000  }
0x6: {  	s13 =	simm.s32 $0x800;
	s14 =	simm.s32 $0xA000;
	s15 =	simm.s32 $0x1  }
0x7: {  	s16 =	simm.s32 $0xE000;
	s17 =	simm.s32 $0x2;
	s18 =	simm.s32 $0x4  }
0x8: {  	s19 =	simm.s32 $0x8;
	s20 =	simm.s32 $0x7;
	s21 =	simm.s32 $0x0  }
0x9: {  	s6 =	sand.u32 $0x1, s3;
	[smem:$0x7FF] =	sst s2;
	s8 =	sshll.u32 s7, $0xB  }
0xa: {  	s3 =	sadd.s32 $0x3800, s4;
	s31 =	sshll.u32 s7, $0x12;
	p0 =	sne.s32 s7, $0x0  }
0xb: {  	s9 =	sshll.u32 s6, $0xA;
	_ =	strace $0x80000047;
	s30 =	ssub.s32 $0x2, s6  }
.Ltmp0:
0xc: {  	s5 =	sadd.s32 s31, s5;
	s6 =	sshll.u32 s6, $0x11;
	(pc) =	sbr.rel .LBB2_1-.Ltmp0, $4  }
0xd: {  	s7 =	sshrl.u32 @!p0 s1, $0x3;
	s8 =	sor.u32 s9, s8;
	s10 =	sshrl.u32 s30, $0x1  }
0xe: {  	s6 =	sadd.s32 s6, s5;
	s9 =	simm.s32 $0x80;
	s4 =	sadd.s32 s8, s4  }
0xf: {  	s8 =	ssub.s32 s30, s10;
	s6 =	sadd.s32 $0x1000, s6;
	s10 =	simm.s32 $0x2000  }
0x10: {  	s4 =	sadd.s32 $0x13800, s4;
	s5 =	smax.u32 s8, $0x1;
	s8 =	simm.s32 $0x9  }
.LBB2_4:
0x11: {  	s21 =	sadd.s32 $0x1, s21  }
0x12: {  	p1 =	sne.s32 s21, s5  }
.Ltmp1:
0x13: {  	_ = 	snop;
	(pc) =	sbr.rel @!p1 .LBB2_5-.Ltmp1, $4  }
0x14: {  	_ = 	snop  }
0x15: {  	_ =	swait.ge [sflag:s19], $0x4000  }
0x16: {  	[sflag:s19] =	ssyncset.done $0x0  }
0x17: {  	[sflag:s19] =	ssyncadd.s32 $0xFFFFC000  }
.LBB2_1:
0x18: {  	s22 =	simm.s32 @!p0 $0x1C09  }
0x19: {  	[spmem:s7], [sflag:s22] =	dma.local @!p0 [hbm:s3], $0x10000  }
0x1a: {  	s22 =	simm.s32 @!p0 $0x9  }
0x1b: {  	_ =	swait.ge @!p0 [sflag:s22], $0x10000  }
0x1c: {  	[sflag:s22] =	ssyncset.done @!p0 $0x0  }
0x1d: {  	[sflag:s22] =	ssyncadd.s32 @!p0 $0xFFFF0000  }
0x1e: {  	[tilespmem:s2], [sflag:$0x9] =	stream.linear.gather [hbm4b:s4+s2], $0x2000, $0x38;
	[tilespmem:$0x1A000] =	vst v63  }
0x1f: {  	_ =	swait.ge [sflag:s8], $0x2000  }
0x20: {  	[sflag:s8] =	ssyncset.done $0x0  }
0x21: {  	[sflag:s8] =	ssyncadd.s32 $0xFFFFE000  }
0x22: {  	[bflag:$0x0] =	sbarrier.arrive $0xFFFF  }
0x23: {  	[tilespmem:s10], [sflag:$0x1] =	stream.indirect.gather [spmem:s1], $0x80, s2, s9, $0xb8;
	[tilespmem:$0x1A000] =	vst v63  }
0x24: {  	s23 =	simm.s32 $0x6  }
0x25: {  	[tilespmem:s12], [sflag:$0x2] =	stream.indirect.gather [spmem:s1], $0x80, s11, s9, $0xb8;
	[tilespmem:$0x1A000] =	vst v63  }
0x26: {  	s24 =	simm.s32 $0x0;
	s25 =	smov.u32 s6;
	s22 =	simm.s32 $0x1800  }
0x27: {  	[tilespmem:s14], [sflag:$0x3] =	stream.indirect.gather [spmem:s1], $0x80, s13, s9, $0xb8;
	[tilespmem:$0x1A000] =	vst v63  }
.LBB2_2:
0x28: {  	_ =	swait.ge [sflag:s15], $0x4000  }
0x29: {  	[sflag:s15] =	ssyncset.done $0x0  }
0x2a: {  	s26 =	sadd.s32 $0xFFFFF000, s25;
	p1 =	seq.s32 s22, $0x1800;
	[sflag:s15] =	ssyncadd.s32 $0xFFFFC000  }
0x2b: {  	[hbm4b:s26+s2] =	stream.linear.scatter [tilespmem:s10], [sflag:$0x5], $0x4000, $0x38;
	[tilespmem:$0x1A000] =	vst v63  }
0x2c: {  	s26 =	simm.s32 @!p1 $0x8  }
0x2d: {  	s28 =	sadd.s32 $0xFFFFF400, s22;
	_ =	swait.ge @!p1 [sflag:s26], $0x4000  }
0x2e: {  	s29 =	sand.u32 $0x380, s24;
	s28 =	sand.u32 $0x1C00, s28;
	[sflag:s26] =	ssyncset.done @!p1 $0x0  }
0x2f: {  	s29 =	sor.u32 s29, s28;
	[sflag:s26] =	ssyncadd.s32 @!p1 $0xFFFFC000  }
0x30: {  	[tilespmem:s16], [sflag:$0x4] =	stream.indirect.gather [spmem:s1], $0x80, s29, s9, $0xb8;
	[tilespmem:$0x1A000] =	vst v63  }
0x31: {  	_ =	swait.ge [sflag:s17], $0x4000  }
0x32: {  	p1 =	seq.s32 s22, $0x10800;
	[sflag:s17] =	ssyncset.done $0x0  }
0x33: {  	s30 =	sadd.s32 $0xFFFFF800, s25;
	s26 =	simm.s32 @p1 $0x3;
	[sflag:s17] =	ssyncadd.s32 $0xFFFFC000  }
0x34: {  	[hbm4b:s30+s2] =	stream.linear.scatter [tilespmem:s12], [sflag:$0x6], $0x4000, $0x38;
	[tilespmem:$0x1A000] =	vst v63  }
0x35: {  	_ =	swait.ge @p1 [sflag:s26], $0x4000  }
0x36: {  	[sflag:s26] =	ssyncset.done @p1 $0x0  }
0x37: {  	s28 =	simm.s32 @p1 $0xA000;
	[sflag:s26] =	ssyncadd.s32 @p1 $0xFFFFC000;
	s26 =	simm.s32 @p1 $0x0  }
0x38: {  	[hbm4b:s25+s26] =	stream.linear.scatter @p1 [tilespmem:s28], [sflag:$0x7], $0x4000, $0x38;
	[tilespmem:$0x1A000] =	vst v63  }
0x39: {  	s30 =	sadd.s32 @!p1 $0xFFFFF800, s22;
	s26 =	simm.s32 @!p1 $0x5;
	s28 =	sadd.s32 @!p1 $0xFFFFFFFE, s23  }
0x3a: {  	s30 =	sand.u32 @!p1 $0x1000, s30;
	_ =	swait.ge @!p1 [sflag:s26], $0x4000;
	s29 =	sshll.u32 @!p1 s28, $0x7  }
0x3b: {  	s28 =	sshll.u32 @!p1 s28, $0x4;
	[sflag:s26] =	ssyncset.done @!p1 $0x0;
	s29 =	sand.u32 @!p1 $0x2000, s29  }
0x3c: {  	[sflag:s26] =	ssyncadd.s32 @!p1 $0xFFFFC000;
	s26 =	sand.u32 @!p1 $0x380, s28;
	s28 =	sor.u32 @!p1 s30, s29  }
0x3d: {  	s29 =	simm.s32 @!p1 $0x2000;
	s26 =	sor.u32 @!p1 s26, s28;
	s28 =	simm.s32 @!p1 $0x80  }
0x3e: {  	[tilespmem:s29], [sflag:$0x1] =	stream.indirect.gather @!p1 [spmem:s1], $0x80, s26, s28, $0xb8;
	[tilespmem:$0x1A000] =	vst v63  }
0x3f: {  	s26 =	simm.s32 @!p1 $0x3  }
0x40: {  	_ =	swait.ge @!p1 [sflag:s26], $0x4000  }
0x41: {  	[sflag:s26] =	ssyncset.done @!p1 $0x0  }
0x42: {  	s29 =	simm.s32 @!p1 $0xA000;
	[sflag:s26] =	ssyncadd.s32 @!p1 $0xFFFFC000;
	s26 =	simm.s32 @!p1 $0x0  }
0x43: {  	[hbm4b:s25+s26] =	stream.linear.scatter @!p1 [tilespmem:s29], [sflag:$0x7], $0x4000, $0x38;
	[tilespmem:$0x1A000] =	vst v63  }
0x44: {  	s31 =	sadd.s32 @!p1 $0xFFFFFC00, s22;
	s26 =	sadd.s32 @!p1 $0xFFFFFFFF, s23  }
0x45: {  	s31 =	sand.u32 @!p1 $0x1400, s31;
	s29 =	simm.s32 @!p1 $0x6;
	s30 =	sshll.u32 @!p1 s26, $0x7  }
0x46: {  	_ =	swait.ge @!p1 [sflag:s29], $0x4000;
	s26 =	sshll.u32 @!p1 s26, $0x4;
	s30 =	sand.u32 @!p1 $0x2000, s30  }
0x47: {  	[sflag:s29] =	ssyncset.done @!p1 $0x0;
	s26 =	sand.u32 @!p1 $0x380, s26;
	s30 =	sor.u32 @!p1 s31, s30  }
0x48: {  	[sflag:s29] =	ssyncadd.s32 @!p1 $0xFFFFC000;
	s29 =	simm.s32 @!p1 $0x6000;
	s26 =	sor.u32 @!p1 s26, s30  }
0x49: {  	[tilespmem:s29], [sflag:$0x2] =	stream.indirect.gather @!p1 [spmem:s1], $0x80, s26, s28, $0xb8;
	[tilespmem:$0x1A000] =	vst v63  }
.Ltmp2:
0x4a: {  	_ = 	snop;
	(pc) =	sbr.rel @p1 .LBB2_4-.Ltmp2, $4  }
0x4b: {  	_ =	swait.ge [sflag:s18], $0x4000  }
0x4c: {  	[sflag:s18] =	ssyncset.done $0x0  }
0x4d: {  	s31 =	sadd.s32 $0x800, s25;
	[sflag:s18] =	ssyncadd.s32 $0xFFFFC000  }
0x4e: {  	[hbm4b:s31+s2] =	stream.linear.scatter [tilespmem:s16], [sflag:$0x8], $0x4000, $0x38;
	[tilespmem:$0x1A000] =	vst v63  }
0x4f: {  	_ =	swait.ge [sflag:s20], $0x4000;
	s26 =	sshll.u32 s23, $0x7;
	s28 =	sand.u32 $0x1800, s22  }
.Ltmp3:
0x50: {  	s29 =	sshll.u32 s23, $0x4;
	s25 =	sadd.s32 $0x2000, s25;
	(pc) =	sbr.rel .LBB2_2-.Ltmp3, $4  }
0x51: {  	s22 =	sadd.s32 $0x1000, s22;
	s23 =	sadd.s32 $0x4, s23;
	s26 =	sand.u32 $0x2000, s26  }
0x52: {  	[sflag:s20] =	ssyncset.done $0x0;
	s29 =	sand.u32 $0x380, s29;
	s26 =	sor.u32 s28, s26  }
0x53: {  	s24 =	sadd.s32 $0x40, s24;
	[sflag:s20] =	ssyncadd.s32 $0xFFFFC000;
	s26 =	sor.u32 s29, s26  }
0x54: {  	[tilespmem:s14], [sflag:$0x3] =	stream.indirect.gather [spmem:s1], $0x80, s26, s9, $0xb8;
	[tilespmem:$0x1A000] =	vst v63  }
.LBB2_5:
0x55: {  	_ =	sfence.sel $0x180000  }
0x56: {  	[bflag:$0x0] =	sbarrier.arrive $0xFFFF  }
0x57: {  	_ =	strace $0x90000047  }
0x58: {  	s0 =	sadd.s32 @!p0 $0x100000, s0;
	[bflag:$0x2] =	sbarrier.arrive $0xFFFF  }
0x59: {  	[sflag:s0] =	ssyncadd.tile.s32 @!p0 $0x1;
	_ =	shalt  }
.Lfunc_end2:
_tile_overlayer_lowered:
.L_overlay_start_2:
0x5a: {  	(tag) =	ssettag $0x2  }
0x5b: {  	s0 =	rddreg [dreg:$0x0];
	s2 =	stileid.u32  }
0x5c: {  	s1 =	rddreg [dreg:$0x1];
	p0 =	sne.s32 s2, $0x0  }
0x5d: {  	s3 =	rddreg [dreg:$0x2];
	[bflag:$0x3] =	sbarrier.arrive $0xFFFF;
	s2 =	simm.s32 @!p0 $0x1C09  }
0x5e: {  	[timem:s3], [sflag:s2] =	dma.local @!p0 [hbm:s0], s1  }
0x5f: {  	s0 =	simm.s32 @!p0 $0x9  }
0x60: {  	_ =	swait.ge @!p0 [sflag:s0], s1  }
0x61: {  	s1 =	ssub.s32 @!p0 $0x0, s1;
	[sflag:s0] =	ssyncset.done @!p0 $0x0  }
0x62: {  	[sflag:s0] =	ssyncadd.s32 @!p0 s1  }
0x63: {  	[bflag:$0x3] =	sbarrier.arrive $0xFFFF  }
0x64: {  	_ =	shalt  }

</sc_bundles>
